<compile_context>
chip_gen: v7x
topology: tpu7x:2x2x1
jax: 0.10.2.dev20260603
libtpu: 0.0.44.dev20260713+nightly
codegen_flags: <defaults>
</compile_context>

<pallas_src>
import jax
import jax.numpy as jnp
from jax import lax
from jax.experimental import pallas as pl
from jax.experimental.pallas import tpu as pltpu
from jax.experimental.pallas import tpu_sc as plsc

NC = 2
NS = 16
NW = NC * NS
L = 16

B = 16384
D = 128
BPW = B // NW
CH = 128
NCHUNK = BPW // CH
DEPTH = 3


def _make_sc_kernel():
    mesh = plsc.VectorSubcoreMesh(core_axis_name="c", subcore_axis_name="s")

    @pl.kernel(
        out_type=jax.ShapeDtypeStruct((B,), jnp.float32),
        mesh=mesh,
        compiler_params=pltpu.CompilerParams(needs_layout_passes=False),
        scratch_types=(
            [pltpu.VMEM((BPW,), jnp.int32)] * 2
            + [pltpu.VMEM((DEPTH, CH, D), jnp.float32)] * 2
            + [pltpu.VMEM((BPW + L,), jnp.float32)]
            + [pltpu.SemaphoreType.DMA((DEPTH,))] * 2
            + [pltpu.SemaphoreType.DMA] * 2
        ),
    )
    def sc_dot(uidx_hbm, iidx_hbm, w_hbm, h_hbm, out_hbm,
               uidx_v, iidx_v, ubuf_r, hbuf_r, outbuf,
               sems_u, sems_h, sem_iu, sem_ii):
        wid = lax.axis_index("s") * NC + lax.axis_index("c")
        base = wid * BPW
        cp_iu = pltpu.async_copy(uidx_hbm.at[pl.ds(base, BPW)], uidx_v, sem_iu)
        cp_ii = pltpu.async_copy(iidx_hbm.at[pl.ds(base, BPW)], iidx_v, sem_ii)

        lanes = lax.iota(jnp.int32, L)
        perms = {s: lanes ^ s for s in (1, 2, 4, 8)}
        lane0 = lanes == 0
        dnums = lax.GatherDimensionNumbers(
            offset_dims=(), collapsed_slice_dims=(0,), start_index_map=(0,))

        def _lane_shuffle(v, perm):
            return lax.gather(v, perm.reshape(L, 1), dimension_numbers=dnums,
                              slice_sizes=(1,),
                              mode=lax.GatherScatterMode.PROMISE_IN_BOUNDS)

        def _start_u(c, p):
            return pltpu.async_copy(w_hbm.at[uidx_v.at[pl.ds(c * CH, CH)]],
                                    ubuf_r.at[p], sems_u.at[p])

        def _start_h(c, p):
            return pltpu.async_copy(h_hbm.at[iidx_v.at[pl.ds(c * CH, CH)]],
                                    hbuf_r.at[p], sems_h.at[p])

        def _compute(c, p):
            ubuf = ubuf_r.at[p]
            hbuf = hbuf_r.at[p]
            @plsc.parallel_loop(0, CH, step=1, unroll=1)
            def _row(i):
                urow = ubuf.at[i]
                hrow = hbuf.at[i]
                ps = [urow[pl.ds(k * L, L)] * hrow[pl.ds(k * L, L)]
                      for k in range(D // L)]
                while len(ps) > 1:
                    ps = [ps[i2] + ps[i2 + 1] for i2 in range(0, len(ps), 2)]
                acc = ps[0]
                for s in (1, 2, 4, 8):
                    acc = acc + _lane_shuffle(acc, perms[s])
                plsc.store_compressed(outbuf.at[pl.ds(c * CH + i, L)],
                                      acc, mask=lane0)

        cp_iu.wait()
        for c in range(min(DEPTH, NCHUNK)):
            _start_u(c, c)
        cp_ii.wait()
        for c in range(min(DEPTH, NCHUNK)):
            _start_h(c, c)

        @pl.loop(0, NCHUNK)
        def _chunk(c):
            p = lax.rem(c, DEPTH)
            pltpu.make_async_copy(w_hbm.at[uidx_v.at[pl.ds(0, CH)]],
                                  ubuf_r.at[p], sems_u.at[p]).wait()
            pltpu.make_async_copy(h_hbm.at[iidx_v.at[pl.ds(0, CH)]],
                                  hbuf_r.at[p], sems_h.at[p]).wait()
            _compute(c, p)
            @pl.when(c + DEPTH < NCHUNK)
            def _refill():
                _start_u(c + DEPTH, p)
                _start_h(c + DEPTH, p)

        pltpu.sync_copy(outbuf.at[pl.ds(0, BPW)], out_hbm.at[pl.ds(base, BPW)])

    return sc_dot


_sc_dot = _make_sc_kernel()


def kernel(user_idx, item_idx, W, H):
    y = _sc_dot(user_idx.astype(jnp.int32), item_idx.astype(jnp.int32), W, H)
    return y.reshape(-1, 1)

# --- scband reference (transcript-rebuilt; emitter-appended) ---
"""Pipeline reference for scband-wmf-14851996909781 (READ-ONLY COPY).

The authoritative reference and input builder live on the scoring server;
editing this copy changes nothing except your own understanding.
"""

import jax, jax.numpy as jnp
import numpy as np

USER_SIZE = 100000
ITEM_SIZE = 1000000
DIM = 128
BATCH = 16384

def setup_inputs(seed: int = 0) -> dict:
    key = jax.random.key(seed)
    k1, k2, k3, k4 = jax.random.split(key, 4)
    user_idx = jax.random.randint(k1, (BATCH,), 0, USER_SIZE, dtype=jnp.int64 if jax.config.jax_enable_x64 else jnp.int32)
    item_idx = jax.random.randint(k2, (BATCH,), 0, ITEM_SIZE, dtype=jnp.int64 if jax.config.jax_enable_x64 else jnp.int32)
    W = jax.random.normal(k3, (USER_SIZE, DIM), dtype=jnp.float32)
    H = jax.random.normal(k4, (ITEM_SIZE, DIM), dtype=jnp.float32)
    return {"user_idx": user_idx, "item_idx": item_idx, "W": W, "H": H}

def reference(user_idx, item_idx, W, H):
    # WMF.forward (training path, is_test=False)
    user_embed = jnp.take(W, user_idx, axis=0)   # gather [B, dim]
    item_embed = jnp.take(H, item_idx, axis=0)   # gather [B, dim]
    y = jnp.sum(user_embed * item_embed, axis=-1)
    return y.reshape(-1, 1)

if __name__ == "__main__":
    import jax
    _d = setup_inputs()
    print(jax.jit(kernel)(*tuple(_d.values())))

</pallas_src>

<mosaic_0001>
#map = affine_map<(d0, d1) -> (0)>
#map1 = affine_map<(d0, d1) -> (0, 0)>
module attributes {stable_mosaic.version = 14 : i64} {
  func.func @sc_dot(%arg0: i32, %arg1: i32, %arg2: memref<16384xi32, #tpu.memory_space<hbm>>, %arg3: memref<16384xi32, #tpu.memory_space<hbm>>, %arg4: memref<100000x128xf32, #tpu.memory_space<hbm>>, %arg5: memref<1000000x128xf32, #tpu.memory_space<hbm>>, %arg6: memref<16384xf32, #tpu.memory_space<hbm>>, %arg7: memref<512xi32, #tpu.memory_space<vmem>>, %arg8: memref<512xi32, #tpu.memory_space<vmem>>, %arg9: memref<3x128x128xf32, #tpu.memory_space<vmem>>, %arg10: memref<3x128x128xf32, #tpu.memory_space<vmem>>, %arg11: memref<528xf32, #tpu.memory_space<vmem>>, %arg12: memref<3x!tpu.dma_semaphore, #tpu.memory_space<semaphore_mem>>, %arg13: memref<3x!tpu.dma_semaphore, #tpu.memory_space<semaphore_mem>>, %arg14: memref<!tpu.dma_semaphore, #tpu.memory_space<semaphore_mem>>, %arg15: memref<!tpu.dma_semaphore, #tpu.memory_space<semaphore_mem>>) attributes {dimension_semantics = [#tpu.dimension_semantics<core_parallel>, #tpu.dimension_semantics<subcore_parallel>], iteration_bounds = array<i64: 2, 16>, scalar_prefetch = 0 : i64, scratch_operands = 9 : i64, tpu.core_type = #tpu.core_type<sc_vector_subcore>, window_params = [{transform_indices = #map}, {transform_indices = #map}, {transform_indices = #map1}, {transform_indices = #map1}, {transform_indices = #map}]} {
    %mul3A = arith.constant 2 : i32
    %mul3A_0 = arith.muli %arg1, %mul3A : i32
    %add3A = arith.addi %mul3A_0, %arg0 : i32
    %mul3A_1 = arith.constant 512 : i32
    %mul3A_2 = arith.muli %add3A, %mul3A_1 : i32
    %dma_start3A = tpu.memref_slice %arg2[%mul3A_2] : memref<16384xi32, #tpu.memory_space<hbm>> -> memref<512xi32, #tpu.memory_space<hbm>>
    %dma_start3A_3 = tpu.memref_slice %arg2[%mul3A_2] : memref<16384xi32, #tpu.memory_space<hbm>> -> memref<512xi32, #tpu.memory_space<hbm>>
    tpu.enqueue_dma source(%dma_start3A_3 : memref<512xi32, #tpu.memory_space<hbm>>) target(%arg7 : memref<512xi32, #tpu.memory_space<vmem>>) target_semaphore(%arg14 : memref<!tpu.dma_semaphore, #tpu.memory_space<semaphore_mem>>)
    %dma_start3A_4 = tpu.memref_slice %arg3[%mul3A_2] : memref<16384xi32, #tpu.memory_space<hbm>> -> memref<512xi32, #tpu.memory_space<hbm>>
    %dma_start3A_5 = tpu.memref_slice %arg3[%mul3A_2] : memref<16384xi32, #tpu.memory_space<hbm>> -> memref<512xi32, #tpu.memory_space<hbm>>
    tpu.enqueue_dma source(%dma_start3A_5 : memref<512xi32, #tpu.memory_space<hbm>>) target(%arg8 : memref<512xi32, #tpu.memory_space<vmem>>) target_semaphore(%arg15 : memref<!tpu.dma_semaphore, #tpu.memory_space<semaphore_mem>>)
    %iota3A = tpu.iota {dimensions = array<i32: 0>} : vector<16xi32>
    %xor3A = arith.constant 1 : i32
    %xor3A_6 = vector.broadcast %xor3A : i32 to vector<16xi32>
    %xor3A_7 = arith.xori %iota3A, %xor3A_6 : vector<16xi32>
    %xor3A_8 = arith.constant 2 : i32
    %xor3A_9 = vector.broadcast %xor3A_8 : i32 to vector<16xi32>
    %xor3A_10 = arith.xori %iota3A, %xor3A_9 : vector<16xi32>
    %xor3A_11 = arith.constant 4 : i32
    %xor3A_12 = vector.broadcast %xor3A_11 : i32 to vector<16xi32>
    %xor3A_13 = arith.xori %iota3A, %xor3A_12 : vector<16xi32>
    %xor3A_14 = arith.constant 8 : i32
    %xor3A_15 = vector.broadcast %xor3A_14 : i32 to vector<16xi32>
    %xor3A_16 = arith.xori %iota3A, %xor3A_15 : vector<16xi32>
    %eq3A = arith.constant 0 : i32
    %eq3A_17 = vector.broadcast %eq3A : i32 to vector<16xi32>
    %eq3A_18 = arith.cmpi eq, %iota3A, %eq3A_17 : vector<16xi32>
    %dma_wait3A = tpu.memref_slice %arg2[%mul3A_2] : memref<16384xi32, #tpu.memory_space<hbm>> -> memref<512xi32, #tpu.memory_space<hbm>>
    %dma_wait3A_19 = tpu.memref_slice %arg2[%mul3A_2] : memref<16384xi32, #tpu.memory_space<hbm>> -> memref<512xi32, #tpu.memory_space<hbm>>
    tpu.wait_dma2 semaphore(%arg14 : memref<!tpu.dma_semaphore, #tpu.memory_space<semaphore_mem>>) src(%dma_wait3A_19 : memref<512xi32, #tpu.memory_space<hbm>>) dst(%arg7 : memref<512xi32, #tpu.memory_space<vmem>>)
    %dma_start3A_20 = arith.constant 0 : i32
    %dma_start3A_21 = arith.constant 0 : i32
    %dma_start3A_22 = arith.constant 0 : i32
    %dma_start3A_23 = arith.constant 0 : i32
    %dma_start3A_24 = tpu.memref_slice %arg9[%dma_start3A_20, %dma_start3A_22, %dma_start3A_23] : memref<3x128x128xf32, #tpu.memory_space<vmem>> -> memref<1x128x128xf32, #tpu.memory_space<vmem>>
    %dma_start3A_25 = tpu.memref_squeeze %dma_start3A_24 : memref<1x128x128xf32, #tpu.memory_space<vmem>> -> memref<128x128xf32, #tpu.memory_space<vmem>>
    %dma_start3A_26 = arith.constant 0 : i32
    %dma_start3A_27 = tpu.memref_slice %arg7[%dma_start3A_26] : memref<512xi32, #tpu.memory_space<vmem>> -> memref<128xi32, #tpu.memory_space<vmem>>
    %dma_start3A_28 = arith.constant 0 : i32
    %dma_start3A_29 = arith.constant 0 : i32
    %dma_start3A_30 = tpu.memref_slice %arg4[%dma_start3A_28, %dma_start3A_29] : memref<100000x128xf32, #tpu.memory_space<hbm>> -> memref<100000x128xf32, #tpu.memory_space<hbm>>
    %dma_start3A_31 = tpu.memref_slice %arg12[%dma_start3A_21] : memref<3x!tpu.dma_semaphore, #tpu.memory_space<semaphore_mem>> -> memref<1x!tpu.dma_semaphore, #tpu.memory_space<semaphore_mem>>
    %dma_start3A_32 = tpu.memref_squeeze %dma_start3A_31 : memref<1x!tpu.dma_semaphore, #tpu.memory_space<semaphore_mem>> -> memref<!tpu.dma_semaphore, #tpu.memory_space<semaphore_mem>>
    tpu.enqueue_indirect_dma source(%dma_start3A_30 : memref<100000x128xf32, #tpu.memory_space<hbm>>) target(%dma_start3A_25 : memref<128x128xf32, #tpu.memory_space<vmem>>) offsets(%dma_start3A_27 : memref<128xi32, #tpu.memory_space<vmem>>) semaphore(%dma_start3A_32 : memref<!tpu.dma_semaphore, #tpu.memory_space<semaphore_mem>>)
    %dma_start3A_33 = arith.constant 1 : i32
    %dma_start3A_34 = arith.constant 1 : i32
    %dma_start3A_35 = arith.constant 0 : i32
    %dma_start3A_36 = arith.constant 0 : i32
    %dma_start3A_37 = tpu.memref_slice %arg9[%dma_start3A_33, %dma_start3A_35, %dma_start3A_36] : memref<3x128x128xf32, #tpu.memory_space<vmem>> -> memref<1x128x128xf32, #tpu.memory_space<vmem>>
    %dma_start3A_38 = tpu.memref_squeeze %dma_start3A_37 : memref<1x128x128xf32, #tpu.memory_space<vmem>> -> memref<128x128xf32, #tpu.memory_space<vmem>>
    %dma_start3A_39 = arith.constant 128 : i32
    %dma_start3A_40 = tpu.memref_slice %arg7[%dma_start3A_39] : memref<512xi32, #tpu.memory_space<vmem>> -> memref<128xi32, #tpu.memory_space<vmem>>
    %dma_start3A_41 = arith.constant 0 : i32
    %dma_start3A_42 = arith.constant 0 : i32
    %dma_start3A_43 = tpu.memref_slice %arg4[%dma_start3A_41, %dma_start3A_42] : memref<100000x128xf32, #tpu.memory_space<hbm>> -> memref<100000x128xf32, #tpu.memory_space<hbm>>
    %dma_start3A_44 = tpu.memref_slice %arg12[%dma_start3A_34] : memref<3x!tpu.dma_semaphore, #tpu.memory_space<semaphore_mem>> -> memref<1x!tpu.dma_semaphore, #tpu.memory_space<semaphore_mem>>
    %dma_start3A_45 = tpu.memref_squeeze %dma_start3A_44 : memref<1x!tpu.dma_semaphore, #tpu.memory_space<semaphore_mem>> -> memref<!tpu.dma_semaphore, #tpu.memory_space<semaphore_mem>>
    tpu.enqueue_indirect_dma source(%dma_start3A_43 : memref<100000x128xf32, #tpu.memory_space<hbm>>) target(%dma_start3A_38 : memref<128x128xf32, #tpu.memory_space<vmem>>) offsets(%dma_start3A_40 : memref<128xi32, #tpu.memory_space<vmem>>) semaphore(%dma_start3A_45 : memref<!tpu.dma_semaphore, #tpu.memory_space<semaphore_mem>>)
    %dma_start3A_46 = arith.constant 2 : i32
    %dma_start3A_47 = arith.constant 2 : i32
    %dma_start3A_48 = arith.constant 0 : i32
    %dma_start3A_49 = arith.constant 0 : i32
    %dma_start3A_50 = tpu.memref_slice %arg9[%dma_start3A_46, %dma_start3A_48, %dma_start3A_49] : memref<3x128x128xf32, #tpu.memory_space<vmem>> -> memref<1x128x128xf32, #tpu.memory_space<vmem>>
    %dma_start3A_51 = tpu.memref_squeeze %dma_start3A_50 : memref<1x128x128xf32, #tpu.memory_space<vmem>> -> memref<128x128xf32, #tpu.memory_space<vmem>>
    %dma_start3A_52 = arith.constant 256 : i32
    %dma_start3A_53 = tpu.memref_slice %arg7[%dma_start3A_52] : memref<512xi32, #tpu.memory_space<vmem>> -> memref<128xi32, #tpu.memory_space<vmem>>
    %dma_start3A_54 = arith.constant 0 : i32
    %dma_start3A_55 = arith.constant 0 : i32
    %dma_start3A_56 = tpu.memref_slice %arg4[%dma_start3A_54, %dma_start3A_55] : memref<100000x128xf32, #tpu.memory_space<hbm>> -> memref<100000x128xf32, #tpu.memory_space<hbm>>
    %dma_start3A_57 = tpu.memref_slice %arg12[%dma_start3A_47] : memref<3x!tpu.dma_semaphore, #tpu.memory_space<semaphore_mem>> -> memref<1x!tpu.dma_semaphore, #tpu.memory_space<semaphore_mem>>
    %dma_start3A_58 = tpu.memref_squeeze %dma_start3A_57 : memref<1x!tpu.dma_semaphore, #tpu.memory_space<semaphore_mem>> -> memref<!tpu.dma_semaphore, #tpu.memory_space<semaphore_mem>>
    tpu.enqueue_indirect_dma source(%dma_start3A_56 : memref<100000x128xf32, #tpu.memory_space<hbm>>) target(%dma_start3A_51 : memref<128x128xf32, #tpu.memory_space<vmem>>) offsets(%dma_start3A_53 : memref<128xi32, #tpu.memory_space<vmem>>) semaphore(%dma_start3A_58 : memref<!tpu.dma_semaphore, #tpu.memory_space<semaphore_mem>>)
    %dma_wait3A_59 = tpu.memref_slice %arg3[%mul3A_2] : memref<16384xi32, #tpu.memory_space<hbm>> -> memref<512xi32, #tpu.memory_space<hbm>>
    %dma_wait3A_60 = tpu.memref_slice %arg3[%mul3A_2] : memref<16384xi32, #tpu.memory_space<hbm>> -> memref<512xi32, #tpu.memory_space<hbm>>
    tpu.wait_dma2 semaphore(%arg15 : memref<!tpu.dma_semaphore, #tpu.memory_space<semaphore_mem>>) src(%dma_wait3A_60 : memref<512xi32, #tpu.memory_space<hbm>>) dst(%arg8 : memref<512xi32, #tpu.memory_space<vmem>>)
    %dma_start3A_61 = arith.constant 0 : i32
    %dma_start3A_62 = arith.constant 0 : i32
    %dma_start3A_63 = arith.constant 0 : i32
    %dma_start3A_64 = arith.constant 0 : i32
    %dma_start3A_65 = tpu.memref_slice %arg10[%dma_start3A_61, %dma_start3A_63, %dma_start3A_64] : memref<3x128x128xf32, #tpu.memory_space<vmem>> -> memref<1x128x128xf32, #tpu.memory_space<vmem>>
    %dma_start3A_66 = tpu.memref_squeeze %dma_start3A_65 : memref<1x128x128xf32, #tpu.memory_space<vmem>> -> memref<128x128xf32, #tpu.memory_space<vmem>>
    %dma_start3A_67 = arith.constant 0 : i32
    %dma_start3A_68 = tpu.memref_slice %arg8[%dma_start3A_67] : memref<512xi32, #tpu.memory_space<vmem>> -> memref<128xi32, #tpu.memory_space<vmem>>
    %dma_start3A_69 = arith.constant 0 : i32
    %dma_start3A_70 = arith.constant 0 : i32
    %dma_start3A_71 = tpu.memref_slice %arg5[%dma_start3A_69, %dma_start3A_70] : memref<1000000x128xf32, #tpu.memory_space<hbm>> -> memref<1000000x128xf32, #tpu.memory_space<hbm>>
    %dma_start3A_72 = tpu.memref_slice %arg13[%dma_start3A_62] : memref<3x!tpu.dma_semaphore, #tpu.memory_space<semaphore_mem>> -> memref<1x!tpu.dma_semaphore, #tpu.memory_space<semaphore_mem>>
    %dma_start3A_73 = tpu.memref_squeeze %dma_start3A_72 : memref<1x!tpu.dma_semaphore, #tpu.memory_space<semaphore_mem>> -> memref<!tpu.dma_semaphore, #tpu.memory_space<semaphore_mem>>
    tpu.enqueue_indirect_dma source(%dma_start3A_71 : memref<1000000x128xf32, #tpu.memory_space<hbm>>) target(%dma_start3A_66 : memref<128x128xf32, #tpu.memory_space<vmem>>) offsets(%dma_start3A_68 : memref<128xi32, #tpu.memory_space<vmem>>) semaphore(%dma_start3A_73 : memref<!tpu.dma_semaphore, #tpu.memory_space<semaphore_mem>>)
    %dma_start3A_74 = arith.constant 1 : i32
    %dma_start3A_75 = arith.constant 1 : i32
    %dma_start3A_76 = arith.constant 0 : i32
    %dma_start3A_77 = arith.constant 0 : i32
    %dma_start3A_78 = tpu.memref_slice %arg10[%dma_start3A_74, %dma_start3A_76, %dma_start3A_77] : memref<3x128x128xf32, #tpu.memory_space<vmem>> -> memref<1x128x128xf32, #tpu.memory_space<vmem>>
    %dma_start3A_79 = tpu.memref_squeeze %dma_start3A_78 : memref<1x128x128xf32, #tpu.memory_space<vmem>> -> memref<128x128xf32, #tpu.memory_space<vmem>>
    %dma_start3A_80 = arith.constant 128 : i32
    %dma_start3A_81 = tpu.memref_slice %arg8[%dma_start3A_80] : memref<512xi32, #tpu.memory_space<vmem>> -> memref<128xi32, #tpu.memory_space<vmem>>
    %dma_start3A_82 = arith.constant 0 : i32
    %dma_start3A_83 = arith.constant 0 : i32
    %dma_start3A_84 = tpu.memref_slice %arg5[%dma_start3A_82, %dma_start3A_83] : memref<1000000x128xf32, #tpu.memory_space<hbm>> -> memref<1000000x128xf32, #tpu.memory_space<hbm>>
    %dma_start3A_85 = tpu.memref_slice %arg13[%dma_start3A_75] : memref<3x!tpu.dma_semaphore, #tpu.memory_space<semaphore_mem>> -> memref<1x!tpu.dma_semaphore, #tpu.memory_space<semaphore_mem>>
    %dma_start3A_86 = tpu.memref_squeeze %dma_start3A_85 : memref<1x!tpu.dma_semaphore, #tpu.memory_space<semaphore_mem>> -> memref<!tpu.dma_semaphore, #tpu.memory_space<semaphore_mem>>
    tpu.enqueue_indirect_dma source(%dma_start3A_84 : memref<1000000x128xf32, #tpu.memory_space<hbm>>) target(%dma_start3A_79 : memref<128x128xf32, #tpu.memory_space<vmem>>) offsets(%dma_start3A_81 : memref<128xi32, #tpu.memory_space<vmem>>) semaphore(%dma_start3A_86 : memref<!tpu.dma_semaphore, #tpu.memory_space<semaphore_mem>>)
    %dma_start3A_87 = arith.constant 2 : i32
    %dma_start3A_88 = arith.constant 2 : i32
    %dma_start3A_89 = arith.constant 0 : i32
    %dma_start3A_90 = arith.constant 0 : i32
    %dma_start3A_91 = tpu.memref_slice %arg10[%dma_start3A_87, %dma_start3A_89, %dma_start3A_90] : memref<3x128x128xf32, #tpu.memory_space<vmem>> -> memref<1x128x128xf32, #tpu.memory_space<vmem>>
    %dma_start3A_92 = tpu.memref_squeeze %dma_start3A_91 : memref<1x128x128xf32, #tpu.memory_space<vmem>> -> memref<128x128xf32, #tpu.memory_space<vmem>>
    %dma_start3A_93 = arith.constant 256 : i32
    %dma_start3A_94 = tpu.memref_slice %arg8[%dma_start3A_93] : memref<512xi32, #tpu.memory_space<vmem>> -> memref<128xi32, #tpu.memory_space<vmem>>
    %dma_start3A_95 = arith.constant 0 : i32
    %dma_start3A_96 = arith.constant 0 : i32
    %dma_start3A_97 = tpu.memref_slice %arg5[%dma_start3A_95, %dma_start3A_96] : memref<1000000x128xf32, #tpu.memory_space<hbm>> -> memref<1000000x128xf32, #tpu.memory_space<hbm>>
    %dma_start3A_98 = tpu.memref_slice %arg13[%dma_start3A_88] : memref<3x!tpu.dma_semaphore, #tpu.memory_space<semaphore_mem>> -> memref<1x!tpu.dma_semaphore, #tpu.memory_space<semaphore_mem>>
    %dma_start3A_99 = tpu.memref_squeeze %dma_start3A_98 : memref<1x!tpu.dma_semaphore, #tpu.memory_space<semaphore_mem>> -> memref<!tpu.dma_semaphore, #tpu.memory_space<semaphore_mem>>
    tpu.enqueue_indirect_dma source(%dma_start3A_97 : memref<1000000x128xf32, #tpu.memory_space<hbm>>) target(%dma_start3A_92 : memref<128x128xf32, #tpu.memory_space<vmem>>) offsets(%dma_start3A_94 : memref<128xi32, #tpu.memory_space<vmem>>) semaphore(%dma_start3A_99 : memref<!tpu.dma_semaphore, #tpu.memory_space<semaphore_mem>>)
    %scan3A = arith.constant 0 : i32
    %scan3A_100 = arith.constant 4 : i32
    %scan3A_101 = arith.addi %scan3A, %scan3A_100 : i32
    %scan3A_102 = arith.constant 1 : i32
    scf.for %scan3A_104 = %scan3A to %scan3A_101 step %scan3A_102  : i32 {
      %mul3A_105 = arith.constant 1 : i32
      %mul3A_106 = arith.muli %scan3A_104, %mul3A_105 : i32
      %add3A_107 = arith.constant 0 : i32
      %add3A_108 = arith.addi %add3A_107, %mul3A_106 : i32
      %rem3A = arith.constant 3 : i32
      %rem3A_109 = arith.remsi %add3A_108, %rem3A : i32
      %dma_wait3A_110 = arith.constant 0 : i32
      %dma_wait3A_111 = arith.constant 0 : i32
      %dma_wait3A_112 = tpu.memref_slice %arg9[%rem3A_109, %dma_wait3A_110, %dma_wait3A_111] : memref<3x128x128xf32, #tpu.memory_space<vmem>> -> memref<1x128x128xf32, #tpu.memory_space<vmem>>
      %dma_wait3A_113 = tpu.memref_squeeze %dma_wait3A_112 : memref<1x128x128xf32, #tpu.memory_space<vmem>> -> memref<128x128xf32, #tpu.memory_space<vmem>>
      %dma_wait3A_114 = arith.constant 0 : i32
      %dma_wait3A_115 = tpu.memref_slice %arg7[%dma_wait3A_114] : memref<512xi32, #tpu.memory_space<vmem>> -> memref<128xi32, #tpu.memory_space<vmem>>
      %dma_wait3A_116 = arith.constant 0 : i32
      %dma_wait3A_117 = arith.constant 0 : i32
      %dma_wait3A_118 = tpu.memref_slice %arg4[%dma_wait3A_116, %dma_wait3A_117] : memref<100000x128xf32, #tpu.memory_space<hbm>> -> memref<100000x128xf32, #tpu.memory_space<hbm>>
      %dma_wait3A_119 = tpu.memref_slice %arg12[%rem3A_109] : memref<3x!tpu.dma_semaphore, #tpu.memory_space<semaphore_mem>> -> memref<1x!tpu.dma_semaphore, #tpu.memory_space<semaphore_mem>>
      %dma_wait3A_120 = tpu.memref_squeeze %dma_wait3A_119 : memref<1x!tpu.dma_semaphore, #tpu.memory_space<semaphore_mem>> -> memref<!tpu.dma_semaphore, #tpu.memory_space<semaphore_mem>>
      tpu.wait_indirect_dma semaphore(%dma_wait3A_120 : memref<!tpu.dma_semaphore, #tpu.memory_space<semaphore_mem>>) src(%dma_wait3A_118 : memref<100000x128xf32, #tpu.memory_space<hbm>>) dst(%dma_wait3A_113 : memref<128x128xf32, #tpu.memory_space<vmem>>)
      %dma_wait3A_121 = arith.constant 0 : i32
      %dma_wait3A_122 = arith.constant 0 : i32
      %dma_wait3A_123 = tpu.memref_slice %arg10[%rem3A_109, %dma_wait3A_121, %dma_wait3A_122] : memref<3x128x128xf32, #tpu.memory_space<vmem>> -> memref<1x128x128xf32, #tpu.memory_space<vmem>>
      %dma_wait3A_124 = tpu.memref_squeeze %dma_wait3A_123 : memref<1x128x128xf32, #tpu.memory_space<vmem>> -> memref<128x128xf32, #tpu.memory_space<vmem>>
      %dma_wait3A_125 = arith.constant 0 : i32
      %dma_wait3A_126 = tpu.memref_slice %arg8[%dma_wait3A_125] : memref<512xi32, #tpu.memory_space<vmem>> -> memref<128xi32, #tpu.memory_space<vmem>>
      %dma_wait3A_127 = arith.constant 0 : i32
      %dma_wait3A_128 = arith.constant 0 : i32
      %dma_wait3A_129 = tpu.memref_slice %arg5[%dma_wait3A_127, %dma_wait3A_128] : memref<1000000x128xf32, #tpu.memory_space<hbm>> -> memref<1000000x128xf32, #tpu.memory_space<hbm>>
      %dma_wait3A_130 = tpu.memref_slice %arg13[%rem3A_109] : memref<3x!tpu.dma_semaphore, #tpu.memory_space<semaphore_mem>> -> memref<1x!tpu.dma_semaphore, #tpu.memory_space<semaphore_mem>>
      %dma_wait3A_131 = tpu.memref_squeeze %dma_wait3A_130 : memref<1x!tpu.dma_semaphore, #tpu.memory_space<semaphore_mem>> -> memref<!tpu.dma_semaphore, #tpu.memory_space<semaphore_mem>>
      tpu.wait_indirect_dma semaphore(%dma_wait3A_131 : memref<!tpu.dma_semaphore, #tpu.memory_space<semaphore_mem>>) src(%dma_wait3A_129 : memref<1000000x128xf32, #tpu.memory_space<hbm>>) dst(%dma_wait3A_124 : memref<128x128xf32, #tpu.memory_space<vmem>>)
      %parallel_loop3A = arith.constant 0 : i32
      %parallel_loop3A_132 = arith.constant 128 : i32
      %parallel_loop3A_133 = arith.constant 1 : i32
      scf.for %parallel_loop3A_138 = %parallel_loop3A to %parallel_loop3A_132 step %parallel_loop3A_133  : i32 {
        %parallel_loop3A_139 = arith.constant 0 : i32
        %parallel_loop3A_140 = arith.constant 0 : i32
        %parallel_loop3A_141 = tpu.memref_slice %arg9[%rem3A_109, %parallel_loop3A_139, %parallel_loop3A_140] : memref<3x128x128xf32, #tpu.memory_space<vmem>> -> memref<1x128x128xf32, #tpu.memory_space<vmem>>
        %parallel_loop3A_142 = tpu.memref_squeeze %parallel_loop3A_141 : memref<1x128x128xf32, #tpu.memory_space<vmem>> -> memref<128x128xf32, #tpu.memory_space<vmem>>
        %parallel_loop3A_143 = arith.constant 0 : i32
        %parallel_loop3A_144 = tpu.memref_slice %parallel_loop3A_142[%parallel_loop3A_138, %parallel_loop3A_143] : memref<128x128xf32, #tpu.memory_space<vmem>> -> memref<1x128xf32, #tpu.memory_space<vmem>>
        %parallel_loop3A_145 = tpu.memref_squeeze %parallel_loop3A_144 : memref<1x128xf32, #tpu.memory_space<vmem>> -> memref<128xf32, #tpu.memory_space<vmem>>
        %parallel_loop3A_146 = arith.constant 0 : index
        %parallel_loop3A_147 = tpu.vector_load %parallel_loop3A_145[%parallel_loop3A_146] {strides = array<i32>} : memref<128xf32, #tpu.memory_space<vmem>>, vector<16xf32>,
        %parallel_loop3A_148 = arith.constant 0 : i32
        %parallel_loop3A_149 = arith.constant 0 : i32
        %parallel_loop3A_150 = tpu.memref_slice %arg10[%rem3A_109, %parallel_loop3A_148, %parallel_loop3A_149] : memref<3x128x128xf32, #tpu.memory_space<vmem>> -> memref<1x128x128xf32, #tpu.memory_space<vmem>>
        %parallel_loop3A_151 = tpu.memref_squeeze %parallel_loop3A_150 : memref<1x128x128xf32, #tpu.memory_space<vmem>> -> memref<128x128xf32, #tpu.memory_space<vmem>>
        %parallel_loop3A_152 = arith.constant 0 : i32
        %parallel_loop3A_153 = tpu.memref_slice %parallel_loop3A_151[%parallel_loop3A_138, %parallel_loop3A_152] : memref<128x128xf32, #tpu.memory_space<vmem>> -> memref<1x128xf32, #tpu.memory_space<vmem>>
        %parallel_loop3A_154 = tpu.memref_squeeze %parallel_loop3A_153 : memref<1x128xf32, #tpu.memory_space<vmem>> -> memref<128xf32, #tpu.memory_space<vmem>>
        %parallel_loop3A_155 = arith.constant 0 : index
        %parallel_loop3A_156 = tpu.vector_load %parallel_loop3A_154[%parallel_loop3A_155] {strides = array<i32>} : memref<128xf32, #tpu.memory_space<vmem>>, vector<16xf32>,
        %parallel_loop3A_157 = arith.mulf %parallel_loop3A_147, %parallel_loop3A_156 : vector<16xf32>
        %parallel_loop3A_158 = arith.constant 0 : i32
        %parallel_loop3A_159 = arith.constant 0 : i32
        %parallel_loop3A_160 = tpu.memref_slice %arg9[%rem3A_109, %parallel_loop3A_158, %parallel_loop3A_159] : memref<3x128x128xf32, #tpu.memory_space<vmem>> -> memref<1x128x128xf32, #tpu.memory_space<vmem>>
        %parallel_loop3A_161 = tpu.memref_squeeze %parallel_loop3A_160 : memref<1x128x128xf32, #tpu.memory_space<vmem>> -> memref<128x128xf32, #tpu.memory_space<vmem>>
        %parallel_loop3A_162 = arith.constant 0 : i32
        %parallel_loop3A_163 = tpu.memref_slice %parallel_loop3A_161[%parallel_loop3A_138, %parallel_loop3A_162] : memref<128x128xf32, #tpu.memory_space<vmem>> -> memref<1x128xf32, #tpu.memory_space<vmem>>
        %parallel_loop3A_164 = tpu.memref_squeeze %parallel_loop3A_163 : memref<1x128xf32, #tpu.memory_space<vmem>> -> memref<128xf32, #tpu.memory_space<vmem>>
        %parallel_loop3A_165 = arith.constant 16 : index
        %parallel_loop3A_166 = tpu.vector_load %parallel_loop3A_164[%parallel_loop3A_165] {strides = array<i32>} : memref<128xf32, #tpu.memory_space<vmem>>, vector<16xf32>,
        %parallel_loop3A_167 = arith.constant 0 : i32
        %parallel_loop3A_168 = arith.constant 0 : i32
        %parallel_loop3A_169 = tpu.memref_slice %arg10[%rem3A_109, %parallel_loop3A_167, %parallel_loop3A_168] : memref<3x128x128xf32, #tpu.memory_space<vmem>> -> memref<1x128x128xf32, #tpu.memory_space<vmem>>
        %parallel_loop3A_170 = tpu.memref_squeeze %parallel_loop3A_169 : memref<1x128x128xf32, #tpu.memory_space<vmem>> -> memref<128x128xf32, #tpu.memory_space<vmem>>
        %parallel_loop3A_171 = arith.constant 0 : i32
        %parallel_loop3A_172 = tpu.memref_slice %parallel_loop3A_170[%parallel_loop3A_138, %parallel_loop3A_171] : memref<128x128xf32, #tpu.memory_space<vmem>> -> memref<1x128xf32, #tpu.memory_space<vmem>>
        %parallel_loop3A_173 = tpu.memref_squeeze %parallel_loop3A_172 : memref<1x128xf32, #tpu.memory_space<vmem>> -> memref<128xf32, #tpu.memory_space<vmem>>
        %parallel_loop3A_174 = arith.constant 16 : index
        %parallel_loop3A_175 = tpu.vector_load %parallel_loop3A_173[%parallel_loop3A_174] {strides = array<i32>} : memref<128xf32, #tpu.memory_space<vmem>>, vector<16xf32>,
        %parallel_loop3A_176 = arith.mulf %parallel_loop3A_166, %parallel_loop3A_175 : vector<16xf32>
        %parallel_loop3A_177 = arith.constant 0 : i32
        %parallel_loop3A_178 = arith.constant 0 : i32
        %parallel_loop3A_179 = tpu.memref_slice %arg9[%rem3A_109, %parallel_loop3A_177, %parallel_loop3A_178] : memref<3x128x128xf32, #tpu.memory_space<vmem>> -> memref<1x128x128xf32, #tpu.memory_space<vmem>>
        %parallel_loop3A_180 = tpu.memref_squeeze %parallel_loop3A_179 : memref<1x128x128xf32, #tpu.memory_space<vmem>> -> memref<128x128xf32, #tpu.memory_space<vmem>>
        %parallel_loop3A_181 = arith.constant 0 : i32
        %parallel_loop3A_182 = tpu.memref_slice %parallel_loop3A_180[%parallel_loop3A_138, %parallel_loop3A_181] : memref<128x128xf32, #tpu.memory_space<vmem>> -> memref<1x128xf32, #tpu.memory_space<vmem>>
        %parallel_loop3A_183 = tpu.memref_squeeze %parallel_loop3A_182 : memref<1x128xf32, #tpu.memory_space<vmem>> -> memref<128xf32, #tpu.memory_space<vmem>>
        %parallel_loop3A_184 = arith.constant 32 : index
        %parallel_loop3A_185 = tpu.vector_load %parallel_loop3A_183[%parallel_loop3A_184] {strides = array<i32>} : memref<128xf32, #tpu.memory_space<vmem>>, vector<16xf32>,
        %parallel_loop3A_186 = arith.constant 0 : i32
        %parallel_loop3A_187 = arith.constant 0 : i32
        %parallel_loop3A_188 = tpu.memref_slice %arg10[%rem3A_109, %parallel_loop3A_186, %parallel_loop3A_187] : memref<3x128x128xf32, #tpu.memory_space<vmem>> -> memref<1x128x128xf32, #tpu.memory_space<vmem>>
        %parallel_loop3A_189 = tpu.memref_squeeze %parallel_loop3A_188 : memref<1x128x128xf32, #tpu.memory_space<vmem>> -> memref<128x128xf32, #tpu.memory_space<vmem>>
        %parallel_loop3A_190 = arith.constant 0 : i32
        %parallel_loop3A_191 = tpu.memref_slice %parallel_loop3A_189[%parallel_loop3A_138, %parallel_loop3A_190] : memref<128x128xf32, #tpu.memory_space<vmem>> -> memref<1x128xf32, #tpu.memory_space<vmem>>
        %parallel_loop3A_192 = tpu.memref_squeeze %parallel_loop3A_191 : memref<1x128xf32, #tpu.memory_space<vmem>> -> memref<128xf32, #tpu.memory_space<vmem>>
        %parallel_loop3A_193 = arith.constant 32 : index
        %parallel_loop3A_194 = tpu.vector_load %parallel_loop3A_192[%parallel_loop3A_193] {strides = array<i32>} : memref<128xf32, #tpu.memory_space<vmem>>, vector<16xf32>,
        %parallel_loop3A_195 = arith.mulf %parallel_loop3A_185, %parallel_loop3A_194 : vector<16xf32>
        %parallel_loop3A_196 = arith.constant 0 : i32
        %parallel_loop3A_197 = arith.constant 0 : i32
        %parallel_loop3A_198 = tpu.memref_slice %arg9[%rem3A_109, %parallel_loop3A_196, %parallel_loop3A_197] : memref<3x128x128xf32, #tpu.memory_space<vmem>> -> memref<1x128x128xf32, #tpu.memory_space<vmem>>
        %parallel_loop3A_199 = tpu.memref_squeeze %parallel_loop3A_198 : memref<1x128x128xf32, #tpu.memory_space<vmem>> -> memref<128x128xf32, #tpu.memory_space<vmem>>
        %parallel_loop3A_200 = arith.constant 0 : i32
        %parallel_loop3A_201 = tpu.memref_slice %parallel_loop3A_199[%parallel_loop3A_138, %parallel_loop3A_200] : memref<128x128xf32, #tpu.memory_space<vmem>> -> memref<1x128xf32, #tpu.memory_space<vmem>>
        %parallel_loop3A_202 = tpu.memref_squeeze %parallel_loop3A_201 : memref<1x128xf32, #tpu.memory_space<vmem>> -> memref<128xf32, #tpu.memory_space<vmem>>
        %parallel_loop3A_203 = arith.constant 48 : index
        %parallel_loop3A_204 = tpu.vector_load %parallel_loop3A_202[%parallel_loop3A_203] {strides = array<i32>} : memref<128xf32, #tpu.memory_space<vmem>>, vector<16xf32>,
        %parallel_loop3A_205 = arith.constant 0 : i32
        %parallel_loop3A_206 = arith.constant 0 : i32
        %parallel_loop3A_207 = tpu.memref_slice %arg10[%rem3A_109, %parallel_loop3A_205, %parallel_loop3A_206] : memref<3x128x128xf32, #tpu.memory_space<vmem>> -> memref<1x128x128xf32, #tpu.memory_space<vmem>>
        %parallel_loop3A_208 = tpu.memref_squeeze %parallel_loop3A_207 : memref<1x128x128xf32, #tpu.memory_space<vmem>> -> memref<128x128xf32, #tpu.memory_space<vmem>>
        %parallel_loop3A_209 = arith.constant 0 : i32
        %parallel_loop3A_210 = tpu.memref_slice %parallel_loop3A_208[%parallel_loop3A_138, %parallel_loop3A_209] : memref<128x128xf32, #tpu.memory_space<vmem>> -> memref<1x128xf32, #tpu.memory_space<vmem>>
        %parallel_loop3A_211 = tpu.memref_squeeze %parallel_loop3A_210 : memref<1x128xf32, #tpu.memory_space<vmem>> -> memref<128xf32, #tpu.memory_space<vmem>>
        %parallel_loop3A_212 = arith.constant 48 : index
        %parallel_loop3A_213 = tpu.vector_load %parallel_loop3A_211[%parallel_loop3A_212] {strides = array<i32>} : memref<128xf32, #tpu.memory_space<vmem>>, vector<16xf32>,
        %parallel_loop3A_214 = arith.mulf %parallel_loop3A_204, %parallel_loop3A_213 : vector<16xf32>
        %parallel_loop3A_215 = arith.constant 0 : i32
        %parallel_loop3A_216 = arith.constant 0 : i32
        %parallel_loop3A_217 = tpu.memref_slice %arg9[%rem3A_109, %parallel_loop3A_215, %parallel_loop3A_216] : memref<3x128x128xf32, #tpu.memory_space<vmem>> -> memref<1x128x128xf32, #tpu.memory_space<vmem>>
        %parallel_loop3A_218 = tpu.memref_squeeze %parallel_loop3A_217 : memref<1x128x128xf32, #tpu.memory_space<vmem>> -> memref<128x128xf32, #tpu.memory_space<vmem>>
        %parallel_loop3A_219 = arith.constant 0 : i32
        %parallel_loop3A_220 = tpu.memref_slice %parallel_loop3A_218[%parallel_loop3A_138, %parallel_loop3A_219] : memref<128x128xf32, #tpu.memory_space<vmem>> -> memref<1x128xf32, #tpu.memory_space<vmem>>
        %parallel_loop3A_221 = tpu.memref_squeeze %parallel_loop3A_220 : memref<1x128xf32, #tpu.memory_space<vmem>> -> memref<128xf32, #tpu.memory_space<vmem>>
        %parallel_loop3A_222 = arith.constant 64 : index
        %parallel_loop3A_223 = tpu.vector_load %parallel_loop3A_221[%parallel_loop3A_222] {strides = array<i32>} : memref<128xf32, #tpu.memory_space<vmem>>, vector<16xf32>,
        %parallel_loop3A_224 = arith.constant 0 : i32
        %parallel_loop3A_225 = arith.constant 0 : i32
        %parallel_loop3A_226 = tpu.memref_slice %arg10[%rem3A_109, %parallel_loop3A_224, %parallel_loop3A_225] : memref<3x128x128xf32, #tpu.memory_space<vmem>> -> memref<1x128x128xf32, #tpu.memory_space<vmem>>
        %parallel_loop3A_227 = tpu.memref_squeeze %parallel_loop3A_226 : memref<1x128x128xf32, #tpu.memory_space<vmem>> -> memref<128x128xf32, #tpu.memory_space<vmem>>
        %parallel_loop3A_228 = arith.constant 0 : i32
        %parallel_loop3A_229 = tpu.memref_slice %parallel_loop3A_227[%parallel_loop3A_138, %parallel_loop3A_228] : memref<128x128xf32, #tpu.memory_space<vmem>> -> memref<1x128xf32, #tpu.memory_space<vmem>>
        %parallel_loop3A_230 = tpu.memref_squeeze %parallel_loop3A_229 : memref<1x128xf32, #tpu.memory_space<vmem>> -> memref<128xf32, #tpu.memory_space<vmem>>
        %parallel_loop3A_231 = arith.constant 64 : index
        %parallel_loop3A_232 = tpu.vector_load %parallel_loop3A_230[%parallel_loop3A_231] {strides = array<i32>} : memref<128xf32, #tpu.memory_space<vmem>>, vector<16xf32>,
        %parallel_loop3A_233 = arith.mulf %parallel_loop3A_223, %parallel_loop3A_232 : vector<16xf32>
        %parallel_loop3A_234 = arith.constant 0 : i32
        %parallel_loop3A_235 = arith.constant 0 : i32
        %parallel_loop3A_236 = tpu.memref_slice %arg9[%rem3A_109, %parallel_loop3A_234, %parallel_loop3A_235] : memref<3x128x128xf32, #tpu.memory_space<vmem>> -> memref<1x128x128xf32, #tpu.memory_space<vmem>>
        %parallel_loop3A_237 = tpu.memref_squeeze %parallel_loop3A_236 : memref<1x128x128xf32, #tpu.memory_space<vmem>> -> memref<128x128xf32, #tpu.memory_space<vmem>>
        %parallel_loop3A_238 = arith.constant 0 : i32
        %parallel_loop3A_239 = tpu.memref_slice %parallel_loop3A_237[%parallel_loop3A_138, %parallel_loop3A_238] : memref<128x128xf32, #tpu.memory_space<vmem>> -> memref<1x128xf32, #tpu.memory_space<vmem>>
        %parallel_loop3A_240 = tpu.memref_squeeze %parallel_loop3A_239 : memref<1x128xf32, #tpu.memory_space<vmem>> -> memref<128xf32, #tpu.memory_space<vmem>>
        %parallel_loop3A_241 = arith.constant 80 : index
        %parallel_loop3A_242 = tpu.vector_load %parallel_loop3A_240[%parallel_loop3A_241] {strides = array<i32>} : memref<128xf32, #tpu.memory_space<vmem>>, vector<16xf32>,
        %parallel_loop3A_243 = arith.constant 0 : i32
        %parallel_loop3A_244 = arith.constant 0 : i32
        %parallel_loop3A_245 = tpu.memref_slice %arg10[%rem3A_109, %parallel_loop3A_243, %parallel_loop3A_244] : memref<3x128x128xf32, #tpu.memory_space<vmem>> -> memref<1x128x128xf32, #tpu.memory_space<vmem>>
        %parallel_loop3A_246 = tpu.memref_squeeze %parallel_loop3A_245 : memref<1x128x128xf32, #tpu.memory_space<vmem>> -> memref<128x128xf32, #tpu.memory_space<vmem>>
        %parallel_loop3A_247 = arith.constant 0 : i32
        %parallel_loop3A_248 = tpu.memref_slice %parallel_loop3A_246[%parallel_loop3A_138, %parallel_loop3A_247] : memref<128x128xf32, #tpu.memory_space<vmem>> -> memref<1x128xf32, #tpu.memory_space<vmem>>
        %parallel_loop3A_249 = tpu.memref_squeeze %parallel_loop3A_248 : memref<1x128xf32, #tpu.memory_space<vmem>> -> memref<128xf32, #tpu.memory_space<vmem>>
        %parallel_loop3A_250 = arith.constant 80 : index
        %parallel_loop3A_251 = tpu.vector_load %parallel_loop3A_249[%parallel_loop3A_250] {strides = array<i32>} : memref<128xf32, #tpu.memory_space<vmem>>, vector<16xf32>,
        %parallel_loop3A_252 = arith.mulf %parallel_loop3A_242, %parallel_loop3A_251 : vector<16xf32>
        %parallel_loop3A_253 = arith.constant 0 : i32
        %parallel_loop3A_254 = arith.constant 0 : i32
        %parallel_loop3A_255 = tpu.memref_slice %arg9[%rem3A_109, %parallel_loop3A_253, %parallel_loop3A_254] : memref<3x128x128xf32, #tpu.memory_space<vmem>> -> memref<1x128x128xf32, #tpu.memory_space<vmem>>
        %parallel_loop3A_256 = tpu.memref_squeeze %parallel_loop3A_255 : memref<1x128x128xf32, #tpu.memory_space<vmem>> -> memref<128x128xf32, #tpu.memory_space<vmem>>
        %parallel_loop3A_257 = arith.constant 0 : i32
        %parallel_loop3A_258 = tpu.memref_slice %parallel_loop3A_256[%parallel_loop3A_138, %parallel_loop3A_257] : memref<128x128xf32, #tpu.memory_space<vmem>> -> memref<1x128xf32, #tpu.memory_space<vmem>>
        %parallel_loop3A_259 = tpu.memref_squeeze %parallel_loop3A_258 : memref<1x128xf32, #tpu.memory_space<vmem>> -> memref<128xf32, #tpu.memory_space<vmem>>
        %parallel_loop3A_260 = arith.constant 96 : index
        %parallel_loop3A_261 = tpu.vector_load %parallel_loop3A_259[%parallel_loop3A_260] {strides = array<i32>} : memref<128xf32, #tpu.memory_space<vmem>>, vector<16xf32>,
        %parallel_loop3A_262 = arith.constant 0 : i32
        %parallel_loop3A_263 = arith.constant 0 : i32
        %parallel_loop3A_264 = tpu.memref_slice %arg10[%rem3A_109, %parallel_loop3A_262, %parallel_loop3A_263] : memref<3x128x128xf32, #tpu.memory_space<vmem>> -> memref<1x128x128xf32, #tpu.memory_space<vmem>>
        %parallel_loop3A_265 = tpu.memref_squeeze %parallel_loop3A_264 : memref<1x128x128xf32, #tpu.memory_space<vmem>> -> memref<128x128xf32, #tpu.memory_space<vmem>>
        %parallel_loop3A_266 = arith.constant 0 : i32
        %parallel_loop3A_267 = tpu.memref_slice %parallel_loop3A_265[%parallel_loop3A_138, %parallel_loop3A_266] : memref<128x128xf32, #tpu.memory_space<vmem>> -> memref<1x128xf32, #tpu.memory_space<vmem>>
        %parallel_loop3A_268 = tpu.memref_squeeze %parallel_loop3A_267 : memref<1x128xf32, #tpu.memory_space<vmem>> -> memref<128xf32, #tpu.memory_space<vmem>>
        %parallel_loop3A_269 = arith.constant 96 : index
        %parallel_loop3A_270 = tpu.vector_load %parallel_loop3A_268[%parallel_loop3A_269] {strides = array<i32>} : memref<128xf32, #tpu.memory_space<vmem>>, vector<16xf32>,
        %parallel_loop3A_271 = arith.mulf %parallel_loop3A_261, %parallel_loop3A_270 : vector<16xf32>
        %parallel_loop3A_272 = arith.constant 0 : i32
        %parallel_loop3A_273 = arith.constant 0 : i32
        %parallel_loop3A_274 = tpu.memref_slice %arg9[%rem3A_109, %parallel_loop3A_272, %parallel_loop3A_273] : memref<3x128x128xf32, #tpu.memory_space<vmem>> -> memref<1x128x128xf32, #tpu.memory_space<vmem>>
        %parallel_loop3A_275 = tpu.memref_squeeze %parallel_loop3A_274 : memref<1x128x128xf32, #tpu.memory_space<vmem>> -> memref<128x128xf32, #tpu.memory_space<vmem>>
        %parallel_loop3A_276 = arith.constant 0 : i32
        %parallel_loop3A_277 = tpu.memref_slice %parallel_loop3A_275[%parallel_loop3A_138, %parallel_loop3A_276] : memref<128x128xf32, #tpu.memory_space<vmem>> -> memref<1x128xf32, #tpu.memory_space<vmem>>
        %parallel_loop3A_278 = tpu.memref_squeeze %parallel_loop3A_277 : memref<1x128xf32, #tpu.memory_space<vmem>> -> memref<128xf32, #tpu.memory_space<vmem>>
        %parallel_loop3A_279 = arith.constant 112 : index
        %parallel_loop3A_280 = tpu.vector_load %parallel_loop3A_278[%parallel_loop3A_279] {strides = array<i32>} : memref<128xf32, #tpu.memory_space<vmem>>, vector<16xf32>,
        %parallel_loop3A_281 = arith.constant 0 : i32
        %parallel_loop3A_282 = arith.constant 0 : i32
        %parallel_loop3A_283 = tpu.memref_slice %arg10[%rem3A_109, %parallel_loop3A_281, %parallel_loop3A_282] : memref<3x128x128xf32, #tpu.memory_space<vmem>> -> memref<1x128x128xf32, #tpu.memory_space<vmem>>
        %parallel_loop3A_284 = tpu.memref_squeeze %parallel_loop3A_283 : memref<1x128x128xf32, #tpu.memory_space<vmem>> -> memref<128x128xf32, #tpu.memory_space<vmem>>
        %parallel_loop3A_285 = arith.constant 0 : i32
        %parallel_loop3A_286 = tpu.memref_slice %parallel_loop3A_284[%parallel_loop3A_138, %parallel_loop3A_285] : memref<128x128xf32, #tpu.memory_space<vmem>> -> memref<1x128xf32, #tpu.memory_space<vmem>>
        %parallel_loop3A_287 = tpu.memref_squeeze %parallel_loop3A_286 : memref<1x128xf32, #tpu.memory_space<vmem>> -> memref<128xf32, #tpu.memory_space<vmem>>
        %parallel_loop3A_288 = arith.constant 112 : index
        %parallel_loop3A_289 = tpu.vector_load %parallel_loop3A_287[%parallel_loop3A_288] {strides = array<i32>} : memref<128xf32, #tpu.memory_space<vmem>>, vector<16xf32>,
        %parallel_loop3A_290 = arith.mulf %parallel_loop3A_280, %parallel_loop3A_289 : vector<16xf32>
        %parallel_loop3A_291 = arith.addf %parallel_loop3A_157, %parallel_loop3A_176 : vector<16xf32>
        %parallel_loop3A_292 = arith.addf %parallel_loop3A_195, %parallel_loop3A_214 : vector<16xf32>
        %parallel_loop3A_293 = arith.addf %parallel_loop3A_233, %parallel_loop3A_252 : vector<16xf32>
        %parallel_loop3A_294 = arith.addf %parallel_loop3A_271, %parallel_loop3A_290 : vector<16xf32>
        %parallel_loop3A_295 = arith.addf %parallel_loop3A_291, %parallel_loop3A_292 : vector<16xf32>
        %parallel_loop3A_296 = arith.addf %parallel_loop3A_293, %parallel_loop3A_294 : vector<16xf32>
        %parallel_loop3A_297 = arith.addf %parallel_loop3A_295, %parallel_loop3A_296 : vector<16xf32>
        %parallel_loop3A_298 = vector.shape_cast %xor3A_7 : vector<16xi32> to vector<16x1xi32>
        %parallel_loop3A_299 = vector.shape_cast %parallel_loop3A_298 : vector<16x1xi32> to vector<16xi32>
        %parallel_loop3A_300 = tpu.dynamic_gather %parallel_loop3A_297[%parallel_loop3A_299] in [0] : vector<16xf32>, vector<16xi32> -> vector<16xf32>
        %parallel_loop3A_301 = arith.addf %parallel_loop3A_297, %parallel_loop3A_300 : vector<16xf32>
        %parallel_loop3A_302 = vector.shape_cast %xor3A_10 : vector<16xi32> to vector<16x1xi32>
        %parallel_loop3A_303 = vector.shape_cast %parallel_loop3A_302 : vector<16x1xi32> to vector<16xi32>
        %parallel_loop3A_304 = tpu.dynamic_gather %parallel_loop3A_301[%parallel_loop3A_303] in [0] : vector<16xf32>, vector<16xi32> -> vector<16xf32>
        %parallel_loop3A_305 = arith.addf %parallel_loop3A_301, %parallel_loop3A_304 : vector<16xf32>
        %parallel_loop3A_306 = vector.shape_cast %xor3A_13 : vector<16xi32> to vector<16x1xi32>
        %parallel_loop3A_307 = vector.shape_cast %parallel_loop3A_306 : vector<16x1xi32> to vector<16xi32>
        %parallel_loop3A_308 = tpu.dynamic_gather %parallel_loop3A_305[%parallel_loop3A_307] in [0] : vector<16xf32>, vector<16xi32> -> vector<16xf32>
        %parallel_loop3A_309 = arith.addf %parallel_loop3A_305, %parallel_loop3A_308 : vector<16xf32>
        %parallel_loop3A_310 = vector.shape_cast %xor3A_16 : vector<16xi32> to vector<16x1xi32>
        %parallel_loop3A_311 = vector.shape_cast %parallel_loop3A_310 : vector<16x1xi32> to vector<16xi32>
        %parallel_loop3A_312 = tpu.dynamic_gather %parallel_loop3A_309[%parallel_loop3A_311] in [0] : vector<16xf32>, vector<16xi32> -> vector<16xf32>
        %parallel_loop3A_313 = arith.addf %parallel_loop3A_309, %parallel_loop3A_312 : vector<16xf32>
        %parallel_loop3A_314 = arith.constant 128 : i32
        %parallel_loop3A_315 = arith.muli %add3A_108, %parallel_loop3A_314 : i32
        %parallel_loop3A_316 = arith.addi %parallel_loop3A_315, %parallel_loop3A_138 : i32
        %parallel_loop3A_317 = arith.index_cast %parallel_loop3A_316 : i32 to index
        %parallel_loop3A_318 = tpu.vector_load %arg11[%parallel_loop3A_317] masked %eq3A_18 {strides = array<i32>} : memref<528xf32, #tpu.memory_space<vmem>>, vector<16xf32>, vector<16xi1>
        tpu.vector_store %arg11[%parallel_loop3A_317], %parallel_loop3A_313 masked %eq3A_18 {strides = array<i32>} : memref<528xf32, #tpu.memory_space<vmem>>, vector<16xf32>, vector<16xi1>
      } {sc.loop_unroll_factor = 1 : i64, sc.parallel_access}
      %add3A_134 = arith.constant 3 : i32
      %add3A_135 = arith.addi %add3A_108, %add3A_134 : i32
      %lt3A = arith.constant 4 : i32
      %lt3A_136 = arith.cmpi slt, %add3A_135, %lt3A : i32
      %convert_element_type3A = arith.extui %lt3A_136 : i1 to i32
      %cond3A = arith.constant 0 : i32
      %cond3A_137 = arith.cmpi ne, %convert_element_type3A, %cond3A : i32
      scf.if %cond3A_137 {
        %add3A_138 = arith.constant 3 : i32
        %add3A_139 = arith.addi %add3A_108, %add3A_138 : i32
        %mul3A_140 = arith.constant 128 : i32
        %mul3A_141 = arith.muli %add3A_139, %mul3A_140 : i32
        %dma_start3A_142 = arith.constant 0 : i32
        %dma_start3A_143 = arith.constant 0 : i32
        %dma_start3A_144 = tpu.memref_slice %arg9[%rem3A_109, %dma_start3A_142, %dma_start3A_143] : memref<3x128x128xf32, #tpu.memory_space<vmem>> -> memref<1x128x128xf32, #tpu.memory_space<vmem>>
        %dma_start3A_145 = tpu.memref_squeeze %dma_start3A_144 : memref<1x128x128xf32, #tpu.memory_space<vmem>> -> memref<128x128xf32, #tpu.memory_space<vmem>>
        %dma_start3A_146 = tpu.memref_slice %arg7[%mul3A_141] : memref<512xi32, #tpu.memory_space<vmem>> -> memref<128xi32, #tpu.memory_space<vmem>>
        %dma_start3A_147 = arith.constant 0 : i32
        %dma_start3A_148 = arith.constant 0 : i32
        %dma_start3A_149 = tpu.memref_slice %arg4[%dma_start3A_147, %dma_start3A_148] : memref<100000x128xf32, #tpu.memory_space<hbm>> -> memref<100000x128xf32, #tpu.memory_space<hbm>>
        %dma_start3A_150 = tpu.memref_slice %arg12[%rem3A_109] : memref<3x!tpu.dma_semaphore, #tpu.memory_space<semaphore_mem>> -> memref<1x!tpu.dma_semaphore, #tpu.memory_space<semaphore_mem>>
        %dma_start3A_151 = tpu.memref_squeeze %dma_start3A_150 : memref<1x!tpu.dma_semaphore, #tpu.memory_space<semaphore_mem>> -> memref<!tpu.dma_semaphore, #tpu.memory_space<semaphore_mem>>
        tpu.enqueue_indirect_dma source(%dma_start3A_149 : memref<100000x128xf32, #tpu.memory_space<hbm>>) target(%dma_start3A_145 : memref<128x128xf32, #tpu.memory_space<vmem>>) offsets(%dma_start3A_146 : memref<128xi32, #tpu.memory_space<vmem>>) semaphore(%dma_start3A_151 : memref<!tpu.dma_semaphore, #tpu.memory_space<semaphore_mem>>)
        %add3A_152 = arith.constant 3 : i32
        %add3A_153 = arith.addi %add3A_108, %add3A_152 : i32
        %mul3A_154 = arith.constant 128 : i32
        %mul3A_155 = arith.muli %add3A_153, %mul3A_154 : i32
        %dma_start3A_156 = arith.constant 0 : i32
        %dma_start3A_157 = arith.constant 0 : i32
        %dma_start3A_158 = tpu.memref_slice %arg10[%rem3A_109, %dma_start3A_156, %dma_start3A_157] : memref<3x128x128xf32, #tpu.memory_space<vmem>> -> memref<1x128x128xf32, #tpu.memory_space<vmem>>
        %dma_start3A_159 = tpu.memref_squeeze %dma_start3A_158 : memref<1x128x128xf32, #tpu.memory_space<vmem>> -> memref<128x128xf32, #tpu.memory_space<vmem>>
        %dma_start3A_160 = tpu.memref_slice %arg8[%mul3A_155] : memref<512xi32, #tpu.memory_space<vmem>> -> memref<128xi32, #tpu.memory_space<vmem>>
        %dma_start3A_161 = arith.constant 0 : i32
        %dma_start3A_162 = arith.constant 0 : i32
        %dma_start3A_163 = tpu.memref_slice %arg5[%dma_start3A_161, %dma_start3A_162] : memref<1000000x128xf32, #tpu.memory_space<hbm>> -> memref<1000000x128xf32, #tpu.memory_space<hbm>>
        %dma_start3A_164 = tpu.memref_slice %arg13[%rem3A_109] : memref<3x!tpu.dma_semaphore, #tpu.memory_space<semaphore_mem>> -> memref<1x!tpu.dma_semaphore, #tpu.memory_space<semaphore_mem>>
        %dma_start3A_165 = tpu.memref_squeeze %dma_start3A_164 : memref<1x!tpu.dma_semaphore, #tpu.memory_space<semaphore_mem>> -> memref<!tpu.dma_semaphore, #tpu.memory_space<semaphore_mem>>
        tpu.enqueue_indirect_dma source(%dma_start3A_163 : memref<1000000x128xf32, #tpu.memory_space<hbm>>) target(%dma_start3A_159 : memref<128x128xf32, #tpu.memory_space<vmem>>) offsets(%dma_start3A_160 : memref<128xi32, #tpu.memory_space<vmem>>) semaphore(%dma_start3A_165 : memref<!tpu.dma_semaphore, #tpu.memory_space<semaphore_mem>>)
      } else {
      }
    }
    %scan3A_103 = arith.constant 4 : i32
    "tpu.region"() ({
      %run_scoped3A = tpu.sem_alloc : memref<!tpu.dma_semaphore, #tpu.memory_space<semaphore_mem>>
      %dma_start3A_104 = arith.constant 0 : i32
      %dma_start3A_105 = tpu.memref_slice %arg11[%dma_start3A_104] : memref<528xf32, #tpu.memory_space<vmem>> -> memref<512xf32, #tpu.memory_space<vmem>>
      %dma_start3A_106 = tpu.memref_slice %arg6[%mul3A_2] : memref<16384xf32, #tpu.memory_space<hbm>> -> memref<512xf32, #tpu.memory_space<hbm>>
      %dma_start3A_107 = tpu.memref_slice %arg6[%mul3A_2] : memref<16384xf32, #tpu.memory_space<hbm>> -> memref<512xf32, #tpu.memory_space<hbm>>
      %dma_start3A_108 = arith.constant 0 : i32
      %dma_start3A_109 = tpu.memref_slice %arg11[%dma_start3A_108] : memref<528xf32, #tpu.memory_space<vmem>> -> memref<512xf32, #tpu.memory_space<vmem>>
      tpu.enqueue_dma source(%dma_start3A_109 : memref<512xf32, #tpu.memory_space<vmem>>) target(%dma_start3A_107 : memref<512xf32, #tpu.memory_space<hbm>>) target_semaphore(%run_scoped3A : memref<!tpu.dma_semaphore, #tpu.memory_space<semaphore_mem>>)
      %dma_wait3A_110 = arith.constant 0 : i32
      %dma_wait3A_111 = tpu.memref_slice %arg11[%dma_wait3A_110] : memref<528xf32, #tpu.memory_space<vmem>> -> memref<512xf32, #tpu.memory_space<vmem>>
      %dma_wait3A_112 = tpu.memref_slice %arg6[%mul3A_2] : memref<16384xf32, #tpu.memory_space<hbm>> -> memref<512xf32, #tpu.memory_space<hbm>>
      %dma_wait3A_113 = tpu.memref_slice %arg6[%mul3A_2] : memref<16384xf32, #tpu.memory_space<hbm>> -> memref<512xf32, #tpu.memory_space<hbm>>
      %dma_wait3A_114 = arith.constant 0 : i32
      %dma_wait3A_115 = tpu.memref_slice %arg11[%dma_wait3A_114] : memref<528xf32, #tpu.memory_space<vmem>> -> memref<512xf32, #tpu.memory_space<vmem>>
      tpu.wait_dma2 semaphore(%run_scoped3A : memref<!tpu.dma_semaphore, #tpu.memory_space<semaphore_mem>>) src(%dma_wait3A_115 : memref<512xf32, #tpu.memory_space<vmem>>) dst(%dma_wait3A_113 : memref<512xf32, #tpu.memory_space<hbm>>)
      tpu.yield
    }) : () -> ()
    return
  }
}

</mosaic_0001>

<sc_bundles>
// kernel: kernel.3.cloned.1.call-start
scs
__scs_entry_jumppad:
0x0: {  	(pc) =	sbr.rel $0x88, $3  }
0x1: {  	(tag) =	ssettag $0x0;
	lr =	simm.s32 $0x1  }
0x2: {  	[smem:$0x3F9D] =	sst lr;
	_ =	strace $0xD0000000  }
0x3: {  	_ = 	snop  }
0x4: {  	_ = 	snop  }
0x5: {  	_ = 	snop  }
0x6: {  	_ = 	snop  }
0x7: {  	_ = 	snop  }
__scs_overlays_trampoline_lowered:
0x8: {  	[smem:$0x3FAC] =	sst s0  }
0x9: {  	[smem:$0x3FAD] =	sst s1  }
0xa: {  	[smem:$0x3FAE] =	sst s2  }
0xb: {  	[smem:$0x3FAF] =	sst s3  }
0xc: {  	[smem:$0x3FB0] =	sst s4  }
0xd: {  	[smem:$0x3FB1] =	sst s5  }
0xe: {  	[smem:$0x3FB2] =	sst s6  }
0xf: {  	[smem:$0x3FB3] =	sst s7  }
0x10: {  	[smem:$0x3FB4] =	sst s8  }
0x11: {  	[smem:$0x3FB5] =	sst s9;
	s0 =	simm.s32 @!p0 $0x0  }
0x12: {  	s1 =	sld [smem:$0x3F9B];
	s0 =	simm.s32 @p0 $0x1  }
0x13: {  	[smem:$0x3FB6] =	sst s0;
	s0 =	simm.s32 @!p1 $0x0  }
0x14: {  	s2 =	sld [smem:$0x3F9A];
	s0 =	simm.s32 @p1 $0x1  }
0x15: {  	[smem:$0x3FB7] =	sst s0;
	s0 =	simm.s32 @!p2 $0x0  }
0x16: {  	s3 =	sld [smem:$0x3FDB];
	s0 =	simm.s32 @p2 $0x1  }
0x17: {  	s4 =	simm.s32 $0x1BF5;
	[smem:$0x3FB9] =	sst s0  }
0x18: {  	s0 =	sld [smem:$0x3F9C];
	_ =	swait.ge [sflag:s4], $0x0  }
0x19: {  	s7 =	sld [smem:$0x3F9D]  }
0x1a: {  	s8 =	sadd.s32 $0xFFFFE003, lr  }
0x1b: {  	s9 =	sadd.s32 $0xFFFFFEF7, lr;
	s5 =	simm.s32 $0xFFFFFFFF;
	p2 =	slt.u32 s8, $0xFFFFF086  }
0x1c: {  	p1 =	slt.u32 s9, $0xF7A;
	s5 =	simm.s32 @!p2 $0x0  }
0x1d: {  	s5 =	simm.s32 @p1 $0x1;
	p0 =	seq.s32 s7, s2  }
0x1e: {  	s7 =	smul.u32 @!p0 $0xF7A, s2;
	p2 =	seq.s32 @!p0 s5, $0x0  }
0x1f: {  	s9 =	smul.u32 $0xF7A, s1;
	s8 =	simm.s32 @!p0 $0x1BF5;
	p2 =	por !p2, p0  }
0x20: {  	[sflag:s8] =	ssyncset.s32 @!p0 $0xFFFFF086;
	s6 =	sadd.s32 @!p0 s3, s7;
	s7 =	simm.s32 @!p0 $0x108  }
0x21: {  	s3 =	sadd.s32 s3, s9;
	s6 =	sadd.s32 @!p0 $0x88, s6;
	s7 =	simm.s32 @p2 $0x1082  }
0x22: {  	[simem:s7], [sflag:s8] =	dma.local @!p0 [hbm:s6], $0xF7A  }
0x23: {  	s9 =	sor.u32 $0xD0000000, s2;
	s6 =	simm.s32 $0x108;
	_ =	swait.ge @!p0 [sflag:s8], $0x0  }
0x24: {  	s3 =	sadd.s32 $0x88, s3;
	s6 =	simm.s32 @!p1 $0x1082;
	[sflag:s4] =	ssyncset.s32 $0xFFFFF086  }
0x25: {  	[simem:s6], [sflag:s4] =	dma.local [hbm:s3], $0xF7A  }
0x26: {  	[smem:$0x3F9D] =	sst s1;
	(tag) =	ssettag s2;
	_ =	strace s9  }
0x27: {  	s1 =	sld [smem:$0x3FAD]  }
0x28: {  	s2 =	sld [smem:$0x3FAE]  }
0x29: {  	s4 =	sld [smem:$0x3FB0]  }
0x2a: {  	p0 =	seq.s32 s5, $0x0;
	s5 =	sld [smem:$0x3FB1]  }
0x2b: {  	s6 =	sld [smem:$0x3FB2]  }
0x2c: {  	s7 =	sld [smem:$0x3FB3]  }
0x2d: {  	s3 =	simm.s32 $0x108;
	s8 =	sld [smem:$0x3FB4]  }
0x2e: {  	s3 =	simm.s32 @!p0 $0x1082;
	s9 =	sld [smem:$0x3FB5]  }
0x2f: {  	lr =	sadd.s32 s0, s3;
	s0 =	sld [smem:$0x3FAC]  }
0x30: {  	s3 =	sld [smem:$0x3FAF]  }
0x31: {  	[smem:$0x3FB8] =	sst s10  }
0x32: {  	s10 =	sld [smem:$0x3FB6];
	_ =	sdelay $0x3  }
0x33: {  	p0 =	seq.s32 s10, $0x1;
	s10 =	sld [smem:$0x3FB8];
	_ =	sdelay $0x3  }
0x34: {  	[smem:$0x3FB8] =	sst s10  }
0x35: {  	s10 =	sld [smem:$0x3FB7];
	_ =	sdelay $0x3  }
0x36: {  	p1 =	seq.s32 s10, $0x1;
	s10 =	sld [smem:$0x3FB8];
	_ =	sdelay $0x3  }
0x37: {  	[smem:$0x3FB8] =	sst s10  }
0x38: {  	s10 =	sld [smem:$0x3FB9]  }
0x39: {  	_ = 	snop;
	(pc) =	sbr.ind lr, $3  }
0x3a: {  	_ = 	snop  }
0x3b: {  	_ = 	snop  }
0x3c: {  	p2 =	seq.s32 s10, $0x1;
	s10 =	sld [smem:$0x3FB8]  }
0x3d: {  	_ =	shalt  }
0x3e: {  	_ =	shalt  }
0x3f: {  	_ =	shalt  }
0x40: {  	_ =	shalt  }
0x41: {  	_ =	shalt  }
0x42: {  	_ =	shalt  }
0x43: {  	_ =	shalt  }
0x44: {  	_ =	shalt  }
0x45: {  	_ =	shalt  }
0x46: {  	_ =	shalt  }
0x47: {  	_ =	shalt  }
0x48: {  	_ =	shalt  }
0x49: {  	_ =	shalt  }
0x4a: {  	_ =	shalt  }
0x4b: {  	_ =	shalt  }
0x4c: {  	_ =	shalt  }
0x4d: {  	_ =	shalt  }
0x4e: {  	_ =	shalt  }
0x4f: {  	_ =	shalt  }
0x50: {  	_ =	shalt  }
0x51: {  	_ =	shalt  }
0x52: {  	_ =	shalt  }
0x53: {  	_ =	shalt  }
0x54: {  	_ =	shalt  }
0x55: {  	_ =	shalt  }
0x56: {  	_ =	shalt  }
0x57: {  	_ =	shalt  }
0x58: {  	_ =	shalt  }
0x59: {  	_ =	shalt  }
0x5a: {  	_ =	shalt  }
0x5b: {  	_ =	shalt  }
0x5c: {  	_ =	shalt  }
0x5d: {  	_ =	shalt  }
0x5e: {  	_ =	shalt  }
0x5f: {  	_ =	shalt  }
0x60: {  	_ =	shalt  }
0x61: {  	_ =	shalt  }
0x62: {  	_ =	shalt  }
0x63: {  	_ =	shalt  }
0x64: {  	_ =	shalt  }
0x65: {  	_ =	shalt  }
0x66: {  	_ =	shalt  }
0x67: {  	_ =	shalt  }
0x68: {  	_ =	shalt  }
0x69: {  	_ =	shalt  }
0x6a: {  	_ =	shalt  }
0x6b: {  	_ =	shalt  }
0x6c: {  	_ =	shalt  }
0x6d: {  	_ =	shalt  }
0x6e: {  	_ =	shalt  }
0x6f: {  	_ =	shalt  }
0x70: {  	_ =	shalt  }
0x71: {  	_ =	shalt  }
0x72: {  	_ =	shalt  }
0x73: {  	_ =	shalt  }
0x74: {  	_ =	shalt  }
0x75: {  	_ =	shalt  }
0x76: {  	_ =	shalt  }
0x77: {  	_ =	shalt  }
0x78: {  	_ =	shalt  }
0x79: {  	_ =	shalt  }
0x7a: {  	_ =	shalt  }
0x7b: {  	_ =	shalt  }
0x7c: {  	_ =	shalt  }
0x7d: {  	_ =	shalt  }
0x7e: {  	_ =	shalt  }
0x7f: {  	_ =	shalt  }
0x80: {  	_ =	shalt  }
0x81: {  	_ =	shalt  }
0x82: {  	_ =	shalt  }
0x83: {  	_ =	shalt  }
0x84: {  	_ =	shalt  }
0x85: {  	_ =	shalt  }
0x86: {  	_ =	shalt  }
0x87: {  	_ =	shalt  }
.Lfunc_end0:
.L_simem_size_0:
called_computation_lowered:
.L_overlay_start_0:
0x88: {  	s2 =	sld [smem:$0x3FD9]  }
0x89: {  	s3 =	sld [smem:$0x3FFE];
	_ =	sdelay $0x1  }
0x8a: {  	s1 =	srdreg.scid  }
0x8b: {  	s0 =	sand.u32 $0x1, s1  }
0x8c: {  	s18 =	sshll.u32 s0, $0xA;
	s2 =	sadd.s32 s3, s2  }
0x8d: {  	s2 =	sadd.s32 s2, s18  }
0x8e: {  	[smem:$0x3FC4] =	sst s2  }
0x8f: {  	_ = 	snop  }
0x90: {  	s2 =	sld [smem:$0x3FC9]  }
0x91: {  	s19 =	sld [smem:$0x3FC8]  }
0x92: {  	s4 =	sld [smem:$0x3FC7]  }
0x93: {  	s5 =	sld [smem:$0x3FC6]  }
0x94: {  	s6 =	sld [smem:$0x3FD0];
	(tm) =	ssettm $0x1  }
0x95: {  	s7 =	sld [smem:$0x3FFB];
	_ =	sdelay $0x3  }
0x96: {  	_ =	strace s7  }
0x97: {  	s7 =	sld [smem:$0x3FFC];
	_ =	sdelay $0x3  }
0x98: {  	_ =	strace s7  }
0x99: {  	s7 =	sld [smem:$0x3FFD];
	_ =	sdelay $0x3  }
0x9a: {  	_ =	strace s7  }
0x9b: {  	_ =	strace $0x8FFFFFFF  }
0x9c: {  	s20 =	sld [smem:$0x3FDB];
	_ =	sdelay $0x1  }
0x9d: {  	s8 =	simm.s32 $_scs_section_size  }
0x9e: {  	s9 =	simm.s32 $_size__tile_overlayer_lowered;
	s10 =	simm.s32 $_tile_overlayer_lowered  }
0x9f: {  	s23 =	simm.s32 $0x1BFF;
	s22 =	sshll.u32 s10, $0x1;
	s7 =	sadd.s32 s8, s20  }
0xa0: {  	s11 =	simm.s32 $0x0;
	s21 =	sshll.u32 s9, $0x1;
	s9 =	sadd.s32 s22, s7  }
0xa1: {  	[timem:s11], [sflag:s23] =	dma.local [hbm:s9], s21  }
0xa2: {  	_ =	swait.ge [sflag:s23], s21  }
0xa3: {  	s8 =	ssub.s32 $0x0, s21;
	[sflag:s23] =	ssyncset.done $0x0  }
0xa4: {  	[sflag:s23] =	ssyncadd.s32 s8;
	_ =	sdelay $0x1  }
0xa5: {  	s24 =	simm.s32 $0x1B8B  }
0xa6: {  	_ =	swait.ge [sflag:s24], $0x1  }
0xa7: {  	[sflag:s24] =	ssyncset.done $0x0  }
0xa8: {  	s25 =	simm.s32 $0x1B8E;
	[sflag:s24] =	ssyncadd.s32 $0xFFFFFFFF  }
0xa9: {  	s26 =	simm.s32 $execute0_lowered;
	[smem:$0x3FD2] =	sst s25  }
0xaa: {  	s8 =	sshll.u32 s26, $0x1;
	_ =	strace $0x80000046;
	[dreg:$0x1] =	wrdreg $0xFFFFFFFF  }
0xab: {  	s28 =	simm.s32 $_size_execute0_lowered;
	s7 =	sadd.s32 s7, s8;
	[dreg:$0x0] =	wrdreg $0x0  }
0xac: {  	s8 =	sshll.u32 s28, $0x1;
	[dreg:$0x2] =	wrdreg s7  }
0xad: {  	[dreg:$0x3] =	wrdreg s8  }
0xae: {  	[dreg:$0x4] =	wrdreg $0xC0  }
0xaf: {  	_ =	task [dreg:s11], $0x5FFFF  }
0xb0: {  	[dreg:$0x1] =	wrdreg $0xFFFFFFFF  }
0xb1: {  	[dreg:$0x0] =	wrdreg $0x60  }
0xb2: {  	[dreg:$0x2] =	wrdreg s2  }
0xb3: {  	[dreg:$0x3] =	wrdreg s19  }
0xb4: {  	[dreg:$0x4] =	wrdreg s4  }
0xb5: {  	[dreg:$0x5] =	wrdreg s5  }
0xb6: {  	[dreg:$0x6] =	wrdreg s6  }
0xb7: {  	[dreg:$0x7] =	wrdreg $0x9  }
0xb8: {  	_ =	task.clear_ibuf [dreg:s11], $0x8FFFF;
	_ =	strace $0x90000046  }
0xb9: {  	s29 =	simm.s32 $0x9;
	_ =	strace $0x80000048  }
0xba: {  	_ =	swait.ge [sflag:s29], $0x1  }
0xbb: {  	[sflag:s29] =	ssyncadd.s32 $0xFFFFFFFF  }
0xbc: {  	_ =	strace $0x90000048  }
0xbd: {  	_ =	sfence  }
0xbe: {  	s30 =	sld [smem:$0x0];
	_ =	sdelay $0x2  }
0xbf: {  	s31 =	sshll.u32 s1, $0xD;
	s1 =	sshrl.u32 s1, $0x2  }
0xc0: {  	s3 =	sand.u32 $0x4000, s31;
	s1 =	sadd.s32 s1, s30  }
0xc1: {  	s0 =	sor.u32 s3, s0;
	s1 =	sshll.u32 s1, $0x11  }
0xc2: {  	s0 =	sor.u32 s1, s0  }
0xc3: {  	s0 =	sadd.s32 $0x8F2B, s0  }
0xc4: {  	[sflag:s0] =	ssyncadd.remote.s32 $0x1  }
0xc5: {  	_ =	sfence.sel $0xFFFF  }
0xc6: {  	[dreg:$0x0] =	wrdreg $0xFFFFFFFF;
	(pc) =	sbr.abs _section_cstart, $3  }
0xc7: {  	[dreg:$0x1] =	wrdreg $0xFFFFFFFF  }
0xc8: {  	_ =	task.clear_ibuf [dreg:s11], $0x2FFFF;
	_ =	strace $0x9FFFFFFF  }
0xc9: {  	(tm) =	ssettm $0x7FFFFFFF  }
tec
execute0_lowered:
.L_overlay_start_1:
0x0: {  	(tag) =	ssettag $0x1  }
0x1: {  	s0 =	rddreg [dreg:$0x0]  }
0x2: {  	s6 =	rddreg [dreg:$0x1]  }
0x3: {  	s1 =	rddreg [dreg:$0x2]  }
0x4: {  	s2 =	rddreg [dreg:$0x3]  }
0x5: {  	s7 =	rddreg [dreg:$0x4];
	v0 =	vimm.s32 $0xEFCDAB89;
	s3 =	simm.s32 $0x0;
	s5 =	srdreg.scid;
	v1 =	vimm.s32 $0x67452301  }
0x6: {  	s4 =	stileid.u32;
	v2 =	vimm.s32 $0xDCFE98BA;
	v3 =	vimm.s32 $0x54761032;
	s11 =	simm.s32 $0x80;
	s12 =	simm.s32 $0x400  }
0x7: {  	v4 =	vimm.s32 $0xBA98FEDC;
	v5 =	vimm.s32 $0xFEDCBA98;
	s13 =	simm.s32 $0x4400;
	s14 =	simm.s32 $0x100;
	s15 =	simm.s32 $0x8400  }
0x8: {  	v6 =	vimm.s32 $0x32107654;
	v7 =	vimm.s32 $0x76543210;
	s16 =	simm.s32 $0x8;
	s17 =	simm.s32 $0xC400;
	s18 =	simm.s32 $0x280;
	v0 =	vunpack.c.l.s4.s8 v0  }
0x9: {  	s19 =	simm.s32 $0x10400;
	s20 =	simm.s32 $0x300;
	s21 =	simm.s32 $0x14400;
	v1 =	vunpack.c.l.s4.s8 v1;
	v2 =	vunpack.c.l.s4.s8 v2;
	v3 =	vunpack.c.l.s4.s8 v3  }
0xa: {  	s22 =	simm.s32 $0x18400;
	s23 =	simm.s32 $0x9;
	s5 =	sand.u32 $0x1, s5;
	v5 =	vunpack.c.l.s4.s8 v5;
	v4 =	vunpack.c.l.s4.s8 v4;
	v6 =	vunpack.c.l.s4.s8 v6  }
0xb: {  	s24 =	simm.s32 $0x0;
	[smem:$0x7FF] =	sst s3;
	v7 =	vunpack.c.l.s4.s8 v7;
	s8 =	ssub.s32 $0x2, s5;
	v0 =	vunpack.c.0.s8.s32 v0;
	v1 =	vunpack.c.0.s8.s32 v1  }
0xc: {  	s9 =	sshll.u32 s4, $0x7;
	s5 =	sshll.u32 s5, $0x6;
	s10 =	sshrl.u32 s8, $0x1;
	v2 =	vunpack.c.0.s8.s32 v2;
	v3 =	vunpack.c.0.s8.s32 v3;
	v5 =	vunpack.c.0.s8.s32 v5  }
0xd: {  	_ =	strace $0x80000047;
	s9 =	sor.u32 s5, s9;
	v4 =	vunpack.c.0.s8.s32 v4;
	v6 =	vunpack.c.0.s8.s32 v6;
	v7 =	vunpack.c.0.s8.s32 v7;
	s8 =	ssub.s32 s8, s10  }
0xe: {  	s5 =	sadd.s32 s0, s9;
	s6 =	sadd.s32 s6, s9;
	s7 =	sadd.s32 s7, s9;
	v0 =	vcombine.low v1, v0;
	v1 =	vcombine.low v3, v2;
	v3 =	vand.u32 $0xF, v5  }
0xf: {  	s9 =	simm.s32 $0x200;
	s10 =	simm.s32 $0x7;
	s8 =	smax.u32 s8, $0x1;
	v2 =	vcombine.low v6, v4;
	v3 =	vcombine.low v3, v7  }
.LBB2_1:
0x10: {  	[tilespmem:s3], [sflag:$0x7] =	stream.linear.gather [hbm4b:s5+s3], $0x200, $0x38;
	[tilespmem:$0x18680] =	vst v63  }
0x11: {  	_ = 	snop  }
0x12: {  	[tilespmem:s9], [sflag:$0x8] =	stream.linear.gather [hbm4b:s6+s3], $0x200, $0x38;
	[tilespmem:$0x18680] =	vst v63  }
0x13: {  	_ =	swait.ge [sflag:s10], $0x200  }
0x14: {  	[sflag:s10] =	ssyncset.done $0x0  }
0x15: {  	[sflag:s10] =	ssyncadd.s32 $0xFFFFFE00  }
0x16: {  	[tilespmem:s12], [sflag:$0x1] =	stream.indirect.gather [hbm4b:s1+s11], $0x80, s3, s11, $0xb8;
	[tilespmem:$0x18680] =	vst v63  }
0x17: {  	_ = 	snop  }
0x18: {  	[tilespmem:s13], [sflag:$0x2] =	stream.indirect.gather [hbm4b:s1+s11], $0x80, s11, s11, $0xb8;
	[tilespmem:$0x18680] =	vst v63  }
0x19: {  	_ = 	snop  }
0x1a: {  	[tilespmem:s15], [sflag:$0x3] =	stream.indirect.gather [hbm4b:s1+s11], $0x80, s14, s11, $0xb8;
	[tilespmem:$0x18680] =	vst v63  }
0x1b: {  	_ =	swait.ge [sflag:s16], $0x200  }
0x1c: {  	[sflag:s16] =	ssyncset.done $0x0  }
0x1d: {  	[sflag:s16] =	ssyncadd.s32 $0xFFFFFE00  }
0x1e: {  	[tilespmem:s17], [sflag:$0x4] =	stream.indirect.gather [hbm4b:s2+s11], $0x80, s9, s11, $0xb8;
	[tilespmem:$0x18680] =	vst v63  }
0x1f: {  	_ = 	snop  }
0x20: {  	[tilespmem:s19], [sflag:$0x5] =	stream.indirect.gather [hbm4b:s2+s11], $0x80, s18, s11, $0xb8;
	[tilespmem:$0x18680] =	vst v63  }
0x21: {  	s25 =	simm.s32 $0x18400;
	s26 =	simm.s32 $0x0  }
0x22: {  	[tilespmem:s21], [sflag:$0x6] =	stream.indirect.gather [hbm4b:s2+s11], $0x80, s20, s11, $0xb8;
	[tilespmem:$0x18680] =	vst v63  }
.LBB2_2:
0x23: {  	p0 =	seq.s32 s26, $0x3;
	s0 =	smov.u32 s26  }
0x24: {  	s0 =	simm.s32 @p0 $0x0  }
0x25: {  	s29 =	sshll.u32 s0, $0x10  }
0x26: {  	s28 =	sadd.s32 $0x1, s0;
	s29 =	sshra.s32 s29, $0x2  }
0x27: {  	_ =	swait.ge [sflag:s28], $0x4000;
	s30 =	sor.u32 $0x440, s29  }
0x28: {  	[sflag:s28] =	ssyncset.done $0x0;
	s31 =	sadd.s32 $0xC470, s29;
	v4 =	vmov s30  }
0x29: {  	s29 =	sadd.s32 $0x4, s0;
	[sflag:s28] =	ssyncadd.s32 $0xFFFFC000;
	v5 =	vmov s31  }
0x2a: {  	_ =	swait.ge [sflag:s29], $0x4000  }
0x2b: {  	[sflag:s29] =	ssyncset.done $0x0  }
0x2c: {  	s0 =	simm.s32 $0x0;
	[sflag:s29] =	ssyncadd.s32 $0xFFFFC000  }
0x2d: {  	v6 =	vld.idx.msk [tilespmem:v4+s0+$0xFFFFFFC0 ss:$0x1], $0xffff  }
0x2e: {  	v7 =	vld.idx.msk [tilespmem:v5+s0+$0xFFFFFF90 ss:$0x1], $0xffff  }
0x2f: {  	v8 =	vld.idx.msk [tilespmem:v4+s0+$0xFFFFFFD0 ss:$0x1], $0xffff  }
0x30: {  	v9 =	vld.idx.msk [tilespmem:v5+s0+$0xFFFFFFA0 ss:$0x1], $0xffff  }
0x31: {  	v10 =	vld.idx.msk [tilespmem:v4+s0+$0xFFFFFFE0 ss:$0x1], $0xffff  }
0x32: {  	v11 =	vld.idx.msk [tilespmem:v5+s0+$0xFFFFFFB0 ss:$0x1], $0xffff  }
0x33: {  	v12 =	vld.idx.msk [tilespmem:v4+s0+$0xFFFFFFF0 ss:$0x1], $0xffff  }
0x34: {  	v13 =	vld.idx.msk [tilespmem:v5+s0+$0xFFFFFFC0 ss:$0x1], $0xffff  }
0x35: {  	v14 =	vld.idx.msk [tilespmem:v4+s0+$0x0 ss:$0x1], $0xffff  }
0x36: {  	v15 =	vld.idx.msk [tilespmem:v5+s0+$0xFFFFFFD0 ss:$0x1], $0xffff  }
0x37: {  	v16 =	vld.idx.msk [tilespmem:v4+s0+$0x10 ss:$0x1], $0xffff  }
0x38: {  	v17 =	vld.idx.msk [tilespmem:v5+s0+$0xFFFFFFE0 ss:$0x1], $0xffff  }
0x39: {  	v18 =	vld.idx.msk [tilespmem:v4+s0+$0x20 ss:$0x1], $0xffff  }
0x3a: {  	v19 =	vld.idx.msk [tilespmem:v5+s0+$0xFFFFFFF0 ss:$0x1], $0xffff  }
0x3b: {  	v20 =	vld.idx.msk [tilespmem:v4+s0+$0x30 ss:$0x1], $0xffff  }
0x3c: {  	s31 =	simm.s32 $0x80;
	v21 =	vld.idx.msk [tilespmem:v5+s0+$0x0 ss:$0x1], $0xffff  }
0x3d: {  	v22 =	vld.idx.msk [tilespmem:v4+s31+$0xFFFFFFC0 ss:$0x1], $0xffff  }
0x3e: {  	v23 =	vld.idx.msk [tilespmem:v5+s31+$0xFFFFFF90 ss:$0x1], $0xffff  }
0x3f: {  	v24 =	vld.idx.msk [tilespmem:v4+s31+$0xFFFFFFD0 ss:$0x1], $0xffff  }
0x40: {  	v6 =	vmul.f32 v7, v6;
	v7 =	vmul.f32 v9, v8;
	v8 =	vld.idx.msk [tilespmem:v5+s31+$0xFFFFFFA0 ss:$0x1], $0xffff  }
0x41: {  	v9 =	vmul.f32 v11, v10;
	v10 =	vmul.f32 v13, v12;
	v12 =	vld.idx.msk [tilespmem:v4+s31+$0xFFFFFFE0 ss:$0x1], $0xffff  }
0x42: {  	v11 =	vmul.f32 v15, v14;
	v13 =	vmul.f32 v17, v16;
	v14 =	vld.idx.msk [tilespmem:v5+s31+$0xFFFFFFB0 ss:$0x1], $0xffff  }
0x43: {  	v15 =	vmul.f32 v19, v18;
	v16 =	vmul.f32 v21, v20;
	v17 =	vld.idx.msk [tilespmem:v4+s31+$0xFFFFFFF0 ss:$0x1], $0xffff  }
0x44: {  	v18 =	vld.idx.msk [tilespmem:v4+s31+$0x20 ss:$0x1], $0xffff;
	v6 =	vadd.f32 v7, v6;
	v7 =	vadd.f32 v10, v9  }
0x45: {  	v19 =	vld.idx.msk [tilespmem:v5+s31+$0xFFFFFFF0 ss:$0x1], $0xffff;
	v10 =	vadd.f32 v13, v11;
	v11 =	vadd.f32 v16, v15  }
0x46: {  	v20 =	vld.idx.msk [tilespmem:v4+s31+$0x30 ss:$0x1], $0xffff  }
0x47: {  	v21 =	vld.idx.msk [tilespmem:v5+s31+$0x0 ss:$0x1], $0xffff;
	v6 =	vadd.f32 v7, v6;
	v7 =	vadd.f32 v11, v10  }
0x48: {  	v9 =	vld.idx.msk [tilespmem:v5+s31+$0xFFFFFFC0 ss:$0x1], $0xffff  }
0x49: {  	v13 =	vld.idx.msk [tilespmem:v4+s31+$0x0 ss:$0x1], $0xffff;
	v6 =	vadd.f32 v7, v6  }
0x4a: {  	v15 =	vld.idx.msk [tilespmem:v5+s31+$0xFFFFFFD0 ss:$0x1], $0xffff  }
0x4b: {  	v16 =	vld.idx.msk [tilespmem:v5+s31+$0xFFFFFFE0 ss:$0x1], $0xffff;
	v7 =	vperm.xlane v6, v0  }
0x4c: {  	s30 =	simm.s32 $0x100;
	v10 =	vld.idx.msk [tilespmem:v4+s31+$0x10 ss:$0x1], $0xffff  }
0x4d: {  	v11 =	vld.idx.msk [tilespmem:v4+s30+$0xFFFFFFC0 ss:$0x1], $0xffff;
	v25 =	vadd.f32 v6, v7  }
0x4e: {  	v22 =	vmul.f32 v23, v22;
	v24 =	vmul.f32 v8, v24;
	v8 =	vld.idx.msk [tilespmem:v5+s30+$0xFFFFFFA0 ss:$0x1], $0xffff  }
0x4f: {  	v14 =	vmul.f32 v14, v12;
	v12 =	vld.idx.msk [tilespmem:v4+s30+$0xFFFFFFF0 ss:$0x1], $0xffff;
	v23 =	vperm.xlane v25, v1  }
0x50: {  	v17 =	vmul.f32 v9, v17;
	v9 =	vld.idx.msk [tilespmem:v4+s30+$0xFFFFFFE0 ss:$0x1], $0xffff  }
0x51: {  	v13 =	vmul.f32 v15, v13;
	v16 =	vmul.f32 v16, v10;
	v10 =	vld.idx.msk [tilespmem:v5+s30+$0xFFFFFFB0 ss:$0x1], $0xffff;
	v15 =	vadd.f32 v25, v23  }
0x52: {  	v18 =	vmul.f32 v19, v18;
	v19 =	vmul.f32 v21, v20;
	v17 =	vadd.f32 v17, v14;
	v14 =	vld.idx.msk [tilespmem:v4+s30+$0x0 ss:$0x1], $0xffff  }
0x53: {  	v20 =	vadd.f32 v24, v22;
	v6 =	vld.idx.msk [tilespmem:v5+s30+$0xFFFFFF90 ss:$0x1], $0xffff;
	v21 =	vperm.xlane v15, v2  }
0x54: {  	v18 =	vadd.f32 v19, v18;
	v7 =	vld.idx.msk [tilespmem:v4+s30+$0xFFFFFFD0 ss:$0x1], $0xffff;
	v16 =	vadd.f32 v16, v13  }
0x55: {  	v13 =	vld.idx.msk [tilespmem:v5+s30+$0xFFFFFFC0 ss:$0x1], $0xffff;
	v21 =	vadd.f32 v15, v21  }
0x56: {  	v19 =	vadd.f32 v17, v20;
	v17 =	vld.idx.msk [tilespmem:v5+s30+$0xFFFFFFE0 ss:$0x1], $0xffff;
	v18 =	vadd.f32 v18, v16  }
0x57: {  	v16 =	vld.idx.msk [tilespmem:v4+s30+$0x10 ss:$0x1], $0xffff;
	v20 =	vperm.xlane v21, v3  }
0x58: {  	v19 =	vadd.f32 v18, v19;
	v18 =	vld.idx.msk [tilespmem:v4+s30+$0x20 ss:$0x1], $0xffff  }
0x59: {  	v15 =	vld.idx.msk [tilespmem:v5+s30+$0xFFFFFFD0 ss:$0x1], $0xffff;
	v21 =	vadd.f32 v21, v20  }
0x5a: {  	v22 =	vperm.xlane v19, v0;
	v20 =	vld.idx.msk [tilespmem:v5+s30+$0xFFFFFFF0 ss:$0x1], $0xffff  }
0x5b: {  	s0 =	simm.s32 $0x600;
	s31 =	smov.u32 s25;
	[tilespmem:s25+$0x0] =	vst.msk $0x1, v21;
	v21 =	vld.idx.msk [tilespmem:v4+s30+$0x30 ss:$0x1], $0xffff  }
.LBB2_3:
0x5c: {  	p0 =	sne.s32 s0, $0xFE00;
	v23 =	vld.idx.msk [tilespmem:v5+s30+$0x0 ss:$0x1], $0xffff;
	s30 =	sshra.s32 s0, $0x2;
	v19 =	vadd.f32 v19, v22  }
0x5d: {  	v22 =	vld.idx.msk [tilespmem:v4+s30+$0xFFFFFFC0 ss:$0x1], $0xffff  }
0x5e: {  	v11 =	vmul.f32 v6, v11;
	v6 =	vld.idx.msk [tilespmem:v5+s30+$0xFFFFFF90 ss:$0x1], $0xffff;
	v24 =	vperm.xlane v19, v1  }
0x5f: {  	v25 =	vmul.f32 v8, v7;
	v26 =	vmul.f32 v10, v9;
	v7 =	vld.idx.msk [tilespmem:v4+s30+$0xFFFFFFD0 ss:$0x1], $0xffff  }
0x60: {  	v13 =	vmul.f32 v13, v12;
	v14 =	vmul.f32 v15, v14;
	v8 =	vld.idx.msk [tilespmem:v5+s30+$0xFFFFFFA0 ss:$0x1], $0xffff;
	v15 =	vadd.f32 v19, v24  }
0x61: {  	v16 =	vmul.f32 v17, v16;
	v17 =	vmul.f32 v20, v18;
	v9 =	vld.idx.msk [tilespmem:v4+s30+$0xFFFFFFE0 ss:$0x1], $0xffff  }
0x62: {  	v19 =	vadd.f32 v25, v11;
	v18 =	vmul.f32 v23, v21;
	v10 =	vld.idx.msk [tilespmem:v5+s30+$0xFFFFFFB0 ss:$0x1], $0xffff;
	v20 =	vperm.xlane v15, v2  }
0x63: {  	v16 =	vadd.f32 v16, v14;
	v21 =	vadd.f32 v13, v26;
	v11 =	vmov v22;
	v12 =	vld.idx.msk [tilespmem:v4+s30+$0xFFFFFFF0 ss:$0x1], $0xffff  }
0x64: {  	v17 =	vadd.f32 v18, v17;
	v13 =	vld.idx.msk [tilespmem:v5+s30+$0xFFFFFFC0 ss:$0x1], $0xffff;
	v18 =	vadd.f32 v15, v20  }
0x65: {  	v14 =	vld.idx.msk [tilespmem:v4+s30+$0x0 ss:$0x1], $0xffff  }
0x66: {  	v19 =	vadd.f32 v21, v19;
	v20 =	vadd.f32 v17, v16;
	v15 =	vld.idx.msk [tilespmem:v5+s30+$0xFFFFFFD0 ss:$0x1], $0xffff;
	v21 =	vperm.xlane v18, v3  }
.Ltmp0:
0x67: {  	v16 =	vld.idx.msk [tilespmem:v4+s30+$0x10 ss:$0x1], $0xffff;
	(pc) =	sbr.rel @p0 .LBB2_3-.Ltmp0, $4  }
0x68: {  	v19 =	vadd.f32 v20, v19;
	v17 =	vld.idx.msk [tilespmem:v5+s30+$0xFFFFFFE0 ss:$0x1], $0xffff;
	v21 =	vadd.f32 v18, v21  }
0x69: {  	s31 =	sadd.s32 $0x1, s31;
	v18 =	vld.idx.msk [tilespmem:v4+s30+$0x20 ss:$0x1], $0xffff  }
0x6a: {  	v22 =	vperm.xlane v19, v0;
	v20 =	vld.idx.msk [tilespmem:v5+s30+$0xFFFFFFF0 ss:$0x1], $0xffff;
	[tilespmem:s31+$0x0] =	vst.msk $0x1, v21  }
0x6b: {  	s0 =	sadd.s32 $0x200, s0;
	v21 =	vld.idx.msk [tilespmem:v4+s30+$0x30 ss:$0x1], $0xffff  }
0x6c: {  	_ =	sdelay $0x3  }
0x6d: {  	v4 =	vld.idx.msk [tilespmem:v5+s30+$0x0 ss:$0x1], $0xffff;
	_ =	sdelay $0x1  }
0x6e: {  	v5 =	vmul.f32 v6, v11;
	v54 =	vmul.f32 v8, v7  }
0x6f: {  	v55 =	vmul.f32 v10, v9;
	v56 =	vmul.f32 v13, v12  }
0x70: {  	v57 =	vmul.f32 v15, v14;
	v58 =	vmul.f32 v17, v16  }
0x71: {  	v59 =	vmul.f32 v20, v18;
	v4 =	vmul.f32 v4, v21  }
0x72: {  	v5 =	vadd.f32 v54, v5;
	v60 =	vadd.f32 v56, v55  }
0x73: {  	v61 =	vadd.f32 v58, v57;
	v4 =	vadd.f32 v4, v59;
	_ =	sdelay $0x1  }
0x74: {  	v5 =	vadd.f32 v60, v5;
	v4 =	vadd.f32 v4, v61;
	_ =	sdelay $0x1  }
0x75: {  	v4 =	vadd.f32 v4, v5;
	_ =	sdelay $0x1  }
0x76: {  	v5 =	vperm.xlane v4, v0  }
0x77: {  	v62 =	vadd.f32 v19, v22  }
0x78: {  	v4 =	vadd.f32 v4, v5  }
0x79: {  	v5 =	vperm.xlane v62, v1  }
0x7a: {  	v63 =	vperm.xlane v4, v1  }
0x7b: {  	v5 =	vadd.f32 v62, v5  }
0x7c: {  	v4 =	vadd.f32 v4, v63  }
0x7d: {  	v6 =	vperm.xlane v5, v2  }
0x7e: {  	v7 =	vperm.xlane v4, v2  }
0x7f: {  	v5 =	vadd.f32 v5, v6  }
0x80: {  	v4 =	vadd.f32 v4, v7  }
0x81: {  	v6 =	vperm.xlane v5, v3  }
0x82: {  	v7 =	vperm.xlane v4, v3  }
0x83: {  	v5 =	vadd.f32 v5, v6  }
0x84: {  	s0 =	sadd.s32 $0x1, s31;
	v4 =	vadd.f32 v4, v7  }
0x85: {  	p0 =	sne.s32 s26, $0x0;
	[tilespmem:s0+$0x0] =	vst.msk $0x1, v5;
	s0 =	sadd.s32 $0x1, s0  }
0x86: {  	s30 =	simm.s32 @!p0 $0x180;
	s31 =	simm.s32 @!p0 $0x400;
	[tilespmem:s0+$0x0] =	vst.msk $0x1, v4;
	s0 =	simm.s32 @!p0 $0x80  }
0x87: {  	[tilespmem:s31], [sflag:s28] =	stream.indirect.gather @!p0 [hbm4b:s1+s0], $0x80, s30, s0, $0xb8;
	[tilespmem:$0x18680] =	vst v63  }
0x88: {  	s26 =	sadd.s32 $0x1, s26;
	s28 =	simm.s32 @!p0 $0x380;
	s30 =	simm.s32 @!p0 $0xC400  }
0x89: {  	[tilespmem:s30], [sflag:s29] =	stream.indirect.gather @!p0 [hbm4b:s2+s0], $0x80, s28, s0, $0xb8;
	[tilespmem:$0x18680] =	vst v63  }
0x8a: {  	p0 =	sne.s32 s26, $0x4  }
.Ltmp1:
0x8b: {  	_ = 	snop;
	(pc) =	sbr.rel @p0 .LBB2_2-.Ltmp1, $2  }
0x8c: {  	_ =	sdelay $0x2  }
0x8d: {  	s25 =	sadd.s32 $0x80, s25  }
0x8e: {  	s24 =	sadd.s32 $0x1, s24  }
0x8f: {  	p0 =	sne.s32 s24, s8  }
.Ltmp2:
0x90: {  	_ = 	snop;
	(pc) =	sbr.rel @p0 .LBB2_1-.Ltmp2, $4  }
0x91: {  	[hbm4b:s7+s3] =	stream.linear.scatter [tilespmem:s22], [sflag:$0x9], $0x200, $0x38;
	[tilespmem:$0x18680] =	vst v63  }
0x92: {  	_ =	swait.ge [sflag:s23], $0x200  }
0x93: {  	[sflag:s23] =	ssyncset.done $0x0  }
0x94: {  	[sflag:s23] =	ssyncadd.s32 $0xFFFFFE00  }
0x95: {  	_ =	sfence.sel $0x180000  }
0x96: {  	[bflag:$0x0] =	sbarrier.arrive $0xFFFF  }
0x97: {  	_ =	strace $0x90000047  }
0x98: {  	[bflag:$0x2] =	sbarrier.arrive $0xFFFF  }
0x99: {  	p0 =	sne.s32 s4, $0x0;
	s0 =	rddreg [dreg:$0x5]  }
0x9a: {  	s0 =	sadd.s32 @!p0 $0x100000, s0  }
0x9b: {  	[sflag:s0] =	ssyncadd.tile.s32 @!p0 $0x1;
	_ =	shalt  }
.Lfunc_end2:
_tile_overlayer_lowered:
.L_overlay_start_2:
0x9c: {  	(tag) =	ssettag $0x2  }
0x9d: {  	s0 =	rddreg [dreg:$0x0];
	s2 =	stileid.u32  }
0x9e: {  	s1 =	rddreg [dreg:$0x1];
	p0 =	sne.s32 s2, $0x0  }
0x9f: {  	s3 =	rddreg [dreg:$0x2];
	[bflag:$0x3] =	sbarrier.arrive $0xFFFF;
	s2 =	simm.s32 @!p0 $0x1C09  }
0xa0: {  	[timem:s3], [sflag:s2] =	dma.local @!p0 [hbm:s0], s1  }
0xa1: {  	s0 =	simm.s32 @!p0 $0x9  }
0xa2: {  	_ =	swait.ge @!p0 [sflag:s0], s1  }
0xa3: {  	s1 =	ssub.s32 @!p0 $0x0, s1;
	[sflag:s0] =	ssyncset.done @!p0 $0x0  }
0xa4: {  	[sflag:s0] =	ssyncadd.s32 @!p0 s1  }
0xa5: {  	[bflag:$0x3] =	sbarrier.arrive $0xFFFF  }
0xa6: {  	_ =	shalt  }

</sc_bundles>
